<compile_context>
chip_gen: v7x
topology: tpu7x:2x2x1
jax: 0.10.2.dev20260603
libtpu: 0.0.44.dev20260713+nightly
codegen_flags: <defaults>
</compile_context>

<pallas_src>
import functools

import jax
import jax.numpy as jnp
import numpy as np
from jax import lax
from jax.experimental import pallas as pl
from jax.experimental.pallas import tpu as pltpu
from jax.experimental.pallas import tpu_sc as plsc

_CUTOFF = 5.0
_F = 8
_MAX_POWER = 8.0
_Z1 = _Z2 = _Z3 = 1
_NC = 2
_NS = 16
_L = 16
_NW = _NC * _NS

_CHUNK = 4000
_MCHUNK = 2048


def _exps_np():
    beta = (_MAX_POWER / 2.0) ** (1.0 / (_F - 1))
    return np.array([2.0 * beta**p for p in range(_F)], dtype=np.float32)


def _mask_body(i_hbm, j_hbm, k_hbm, z_hbm, im_hbm,
               zloc, ib0, jb0, kb0, ob0, ib1, jb1, kb1, ob1,
               sem_a, sem_b, sem_o, *, n_atoms, n_trip, n_my):
    C = _MCHUNK
    wid = lax.axis_index("s") * _NC + lax.axis_index("c")
    pltpu.sync_copy(z_hbm, zloc)
    trash = jnp.full((_L,), n_atoms, jnp.int32)

    def off_of(q):
        c = wid * n_my + q
        off = c * C
        return jnp.minimum(off, n_trip - C)

    def start(q, ib, jb, kb, sem):
        off = off_of(q)
        pltpu.async_copy(i_hbm.at[pl.ds(off, C)], ib, sem)
        pltpu.async_copy(j_hbm.at[pl.ds(off, C)], jb, sem)
        pltpu.async_copy(k_hbm.at[pl.ds(off, C)], kb, sem)

    def wait(ib, jb, kb, sem):
        pltpu.make_async_copy(i_hbm.at[pl.ds(0, C)], ib, sem).wait()
        pltpu.make_async_copy(j_hbm.at[pl.ds(0, C)], jb, sem).wait()
        pltpu.make_async_copy(k_hbm.at[pl.ds(0, C)], kb, sem).wait()

    def process(q, ib, jb, kb, ob):
        @plsc.parallel_loop(0, C // _L, unroll=8)
        def _vbody(t):
            sl = pl.ds(t * _L, _L)
            iv = ib[sl]
            jv = jb[sl]
            kv = kb[sl]
            zi = plsc.load_gather(zloc, [iv])
            zj = plsc.load_gather(zloc, [jv])
            zk = plsc.load_gather(zloc, [kv])
            ok = (zi == _Z1) & (zj == _Z2) & (zk == _Z3)
            ob[sl] = jnp.where(ok, iv, trash)

        pltpu.async_copy(ob, im_hbm.at[pl.ds(off_of(q), C)], sem_o)

    start(0, ib0, jb0, kb0, sem_a)
    start(1, ib1, jb1, kb1, sem_b)

    def gbody(q2, carry):
        q0 = 2 * q2
        wait(ib0, jb0, kb0, sem_a)
        process(q0, ib0, jb0, kb0, ob0)

        @pl.when(q0 + 2 < n_my)
        def _():
            start(q0 + 2, ib0, jb0, kb0, sem_a)

        wait(ib1, jb1, kb1, sem_b)
        process(q0 + 1, ib1, jb1, kb1, ob1)

        @pl.when(q0 + 3 < n_my)
        def _():
            start(q0 + 3, ib1, jb1, kb1, sem_b)

        pltpu.make_async_copy(ob0, im_hbm.at[pl.ds(0, C)], sem_o).wait()
        pltpu.make_async_copy(ob1, im_hbm.at[pl.ds(0, C)], sem_o).wait()
        return carry

    lax.fori_loop(0, n_my // 2, gbody, 0)


def _species_mask_index(i, j, k, Z):
    E = i.shape[0]
    n_atoms = Z.shape[0]
    n_my = (E + _NW * _MCHUNK - 1) // (_NW * _MCHUNK)
    if n_my % 2:
        n_my += 1
    mesh = plsc.VectorSubcoreMesh(core_axis_name="c", subcore_axis_name="s")
    fn = pl.kernel(
        functools.partial(_mask_body, n_atoms=n_atoms, n_trip=E, n_my=n_my),
        out_type=jax.ShapeDtypeStruct((E,), jnp.int32),
        mesh=mesh,
        compiler_params=pltpu.CompilerParams(needs_layout_passes=False),
        scratch_types=[
            pltpu.VMEM((n_atoms,), jnp.int32),
            pltpu.VMEM((_MCHUNK,), jnp.int32),
            pltpu.VMEM((_MCHUNK,), jnp.int32),
            pltpu.VMEM((_MCHUNK,), jnp.int32),
            pltpu.VMEM((_MCHUNK,), jnp.int32),
            pltpu.VMEM((_MCHUNK,), jnp.int32),
            pltpu.VMEM((_MCHUNK,), jnp.int32),
            pltpu.VMEM((_MCHUNK,), jnp.int32),
            pltpu.VMEM((_MCHUNK,), jnp.int32),
            pltpu.SemaphoreType.DMA,
            pltpu.SemaphoreType.DMA,
            pltpu.SemaphoreType.DMA,
        ],
    )
    return fn(i, j, k, Z)


def _log_body(r_ij_ref, r_ik_ref, r_jk_ref, lu_ref, lv_ref):
    def cutf(r):
        return jnp.maximum(2.0 * (1.0 - r / _CUTOFF), 0.0)

    u = cutf(r_jk_ref[...])
    v = cutf(r_ij_ref[...]) * cutf(r_ik_ref[...])
    lu_ref[...] = jnp.maximum(jnp.log(u), -60.0)
    lv_ref[...] = jnp.maximum(jnp.log(v), -60.0)


def _compute_logs(r_ij, r_ik, r_jk):
    E = r_ij.shape[0]
    rows = 50
    cols = E // rows
    spec = pl.BlockSpec((rows, cols), lambda g: (0, 0))
    lu, lv = pl.pallas_call(
        _log_body,
        grid=(1,),
        in_specs=[spec, spec, spec],
        out_specs=[spec, spec],
        out_shape=[
            jax.ShapeDtypeStruct((rows, cols), jnp.float32),
            jax.ShapeDtypeStruct((rows, cols), jnp.float32),
        ],
    )(
        r_ij.reshape(rows, cols),
        r_ik.reshape(rows, cols),
        r_jk.reshape(rows, cols),
    )
    return lu.reshape(E), lv.reshape(E)


def _sc_body(ab_hbm, im_hbm, lu_hbm, lv_hbm, out_hbm,
             acc0, acc1, ab_v,
             imb0, lub0, lvb0, imb1, lub1, lvb1,
             sem_a, sem_b, *, n_acc, n_chunks):
    C = _CHUNK
    wid = lax.axis_index("s") * _NC + lax.axis_index("c")

    pltpu.sync_copy(ab_hbm.at[wid], ab_v)
    a_v = ab_v[0, :]
    b0_v = ab_v[1, :]
    b1_v = ab_v[2, :]

    phase = wid * (n_chunks // _NW)

    def start(g, imb, lub, lvb, sem):
        pg = g + phase
        pg = jnp.where(pg >= n_chunks, pg - n_chunks, pg)
        off = pg * C
        pltpu.async_copy(im_hbm.at[pl.ds(off, C)], imb, sem)
        pltpu.async_copy(lu_hbm.at[pl.ds(off, C)], lub, sem)
        pltpu.async_copy(lv_hbm.at[pl.ds(off, C)], lvb, sem)

    def wait(imb, lub, lvb, sem):
        pltpu.make_async_copy(im_hbm.at[pl.ds(0, C)], imb, sem).wait()
        pltpu.make_async_copy(lu_hbm.at[pl.ds(0, C)], lub, sem).wait()
        pltpu.make_async_copy(lv_hbm.at[pl.ds(0, C)], lvb, sem).wait()

    def process(imb, lub, lvb):
        @plsc.parallel_loop(0, C // _L, unroll=8)
        def _vbody(t):
            sl = pl.ds(t * _L, _L)
            im_v = imb[sl]
            lu_v = lub[sl]
            lv_v = lvb[sl]
            ta = lu_v * a_v
            p0 = jnp.exp(lv_v * b0_v + ta)
            p1 = jnp.exp(lv_v * b1_v + ta)
            plsc.addupdate_scatter(acc0, [im_v], p0)
            plsc.addupdate_scatter(acc1, [im_v], p1)

    start(0, imb0, lub0, lvb0, sem_a)
    start(1, imb1, lub1, lvb1, sem_b)

    zf = jnp.zeros((_L,), jnp.float32)

    @plsc.parallel_loop(0, n_acc // _L, unroll=8)
    def _zero(t):
        acc0[pl.ds(t * _L, _L)] = zf
        acc1[pl.ds(t * _L, _L)] = zf

    def gbody(g2, carry):
        c0 = 2 * g2
        wait(imb0, lub0, lvb0, sem_a)
        process(imb0, lub0, lvb0)

        @pl.when(c0 + 2 < n_chunks)
        def _():
            start(c0 + 2, imb0, lub0, lvb0, sem_a)

        wait(imb1, lub1, lvb1, sem_b)
        process(imb1, lub1, lvb1)

        @pl.when(c0 + 3 < n_chunks)
        def _():
            start(c0 + 3, imb1, lub1, lvb1, sem_b)

        return carry

    lax.fori_loop(0, n_chunks // 2, gbody, 0)

    pltpu.sync_copy(acc0, out_hbm.at[2 * wid])
    pltpu.sync_copy(acc1, out_hbm.at[2 * wid + 1])


def _sc_scatter(im, lu, lv, n_atoms):
    E = lu.shape[0]
    n_chunks = E // _CHUNK
    n_acc = ((n_atoms + 1 + _L - 1) // _L) * _L
    exps = _exps_np()
    ab = np.zeros((_NW, 4, _L), dtype=np.float32)
    for w in range(_NW):
        c0, c1 = 2 * w, 2 * w + 1
        ab[w, 0, :] = exps[c0 // _F]
        ab[w, 1, :] = exps[c0 % _F]
        ab[w, 2, :] = exps[c1 % _F]
    ab = jnp.asarray(ab)

    mesh = plsc.VectorSubcoreMesh(core_axis_name="c", subcore_axis_name="s")
    fn = pl.kernel(
        functools.partial(_sc_body, n_acc=n_acc, n_chunks=n_chunks),
        out_type=jax.ShapeDtypeStruct((2 * _NW, n_acc), jnp.float32),
        mesh=mesh,
        compiler_params=pltpu.CompilerParams(needs_layout_passes=False),
        scratch_types=[
            pltpu.VMEM((n_acc,), jnp.float32),
            pltpu.VMEM((n_acc,), jnp.float32),
            pltpu.VMEM((4, _L), jnp.float32),
            pltpu.VMEM((_CHUNK,), jnp.int32),
            pltpu.VMEM((_CHUNK,), jnp.float32),
            pltpu.VMEM((_CHUNK,), jnp.float32),
            pltpu.VMEM((_CHUNK,), jnp.int32),
            pltpu.VMEM((_CHUNK,), jnp.float32),
            pltpu.VMEM((_CHUNK,), jnp.float32),
            pltpu.SemaphoreType.DMA,
            pltpu.SemaphoreType.DMA,
        ],
    )
    return fn(ab, im, lu, lv)


def _tr_body(x_ref, o_ref):
    o_ref[...] = x_ref[...].T


def _transpose(out_t, n):
    nf = out_t.shape[0]
    blk = 2048
    return pl.pallas_call(
        _tr_body,
        grid=(pl.cdiv(n, blk),),
        in_specs=[pl.BlockSpec((nf, blk), lambda g: (0, g))],
        out_specs=pl.BlockSpec((blk, nf), lambda g: (g, 0)),
        out_shape=jax.ShapeDtypeStruct((n, nf), jnp.float32),
    )(out_t)


def kernel(i, j, k, r_ij, r_ik, r_jk, Z):
    n_atoms = Z.shape[0]
    im = _species_mask_index(i, j, k, Z)
    lu, lv = _compute_logs(r_ij, r_ik, r_jk)
    out_t = _sc_scatter(im, lu, lv, n_atoms)
    return _transpose(out_t, n_atoms)

# --- scband reference (transcript-rebuilt; emitter-appended) ---
"""Pipeline reference for scband-three-body-descriptor-35897336660167 (READ-ONLY COPY).

The authoritative reference and input builder live on the scoring server;
editing this copy changes nothing except your own understanding.
"""

import jax, jax.numpy as jnp
import numpy as np

CUTOFF = 5.0
FEATURES = 8
MAX_POWER = 8.0
N_ATOMS = 50000
N_TRIPLETS = 800000
Z1, Z2, Z3 = 1, 1, 1


def _exponents():
    beta = (MAX_POWER / 2.0) ** (1.0 / (FEATURES - 1))
    return jnp.array([2.0 * beta ** p for p in range(FEATURES)], dtype=jnp.float32)


def _radial_expansion(r, exps):
    # f = clamp(2 * (1 - r / cutoff), min=0); f = f ** clamp(exponents, min=2)
    f = jnp.maximum(2.0 * (1.0 - r / CUTOFF), 0.0)
    f = f[:, None] ** jnp.maximum(exps, 2.0)[None, :]
    return f


def setup_inputs(seed: int = 0) -> dict:
    key = jax.random.key(seed)
    ks = jax.random.split(key, 7)
    i = jax.random.randint(ks[0], (N_TRIPLETS,), 0, N_ATOMS, dtype=jnp.int32)
    j = jax.random.randint(ks[1], (N_TRIPLETS,), 0, N_ATOMS, dtype=jnp.int32)
    k = jax.random.randint(ks[2], (N_TRIPLETS,), 0, N_ATOMS, dtype=jnp.int32)
    r_ij = jax.random.uniform(ks[3], (N_TRIPLETS,), minval=0.0, maxval=CUTOFF, dtype=jnp.float32)
    r_ik = jax.random.uniform(ks[4], (N_TRIPLETS,), minval=0.0, maxval=CUTOFF, dtype=jnp.float32)
    r_jk = jax.random.uniform(ks[5], (N_TRIPLETS,), minval=0.0, maxval=CUTOFF, dtype=jnp.float32)
    Z = jnp.ones((N_ATOMS,), dtype=jnp.int32)
    return {"i": i, "j": j, "k": k, "r_ij": r_ij, "r_ik": r_ik, "r_jk": r_jk, "Z": Z}


def reference(i, j, k, r_ij, r_ik, r_jk, Z):
    # species mask over triplets
    mask = (Z[i] == Z1) & (Z[j] == Z2) & (Z[k] == Z3)
    exps = _exponents()
    e_ij = _radial_expansion(r_ij, exps)  # central_atom_expansion
    e_ik = _radial_expansion(r_ik, exps)  # central_atom_expansion
    e_jk = _radial_expansion(r_jk, exps)  # neighbour_atom_expansion
    E = r_ij.shape[0]
    F = e_ij.shape[1]
    prod = (e_ij * e_ik)[:, None, :] * e_jk[:, :, None]
    prod = prod.reshape(E, F * F)
    prod = prod * mask.astype(prod.dtype)[:, None]
    # sum_over_central_atom_index: scatter-add into per-atom accumulator
    out = jax.ops.segment_sum(prod, i, num_segments=N_ATOMS)
    return out

if __name__ == "__main__":
    import jax
    _d = setup_inputs()
    print(jax.jit(kernel)(*tuple(_d.values())))

</pallas_src>

<mosaic_0001>
#map = affine_map<(d0, d1) -> (0)>
module attributes {stable_mosaic.version = 14 : i64} {
  func.func @_mask_body(%arg0: i32, %arg1: i32, %arg2: memref<800000xi32, #tpu.memory_space<hbm>>, %arg3: memref<800000xi32, #tpu.memory_space<hbm>>, %arg4: memref<800000xi32, #tpu.memory_space<hbm>>, %arg5: memref<50000xi32, #tpu.memory_space<hbm>>, %arg6: memref<800000xi32, #tpu.memory_space<hbm>>, %arg7: memref<50000xi32, #tpu.memory_space<vmem>>, %arg8: memref<2048xi32, #tpu.memory_space<vmem>>, %arg9: memref<2048xi32, #tpu.memory_space<vmem>>, %arg10: memref<2048xi32, #tpu.memory_space<vmem>>, %arg11: memref<2048xi32, #tpu.memory_space<vmem>>, %arg12: memref<2048xi32, #tpu.memory_space<vmem>>, %arg13: memref<2048xi32, #tpu.memory_space<vmem>>, %arg14: memref<2048xi32, #tpu.memory_space<vmem>>, %arg15: memref<2048xi32, #tpu.memory_space<vmem>>, %arg16: memref<!tpu.dma_semaphore, #tpu.memory_space<semaphore_mem>>, %arg17: memref<!tpu.dma_semaphore, #tpu.memory_space<semaphore_mem>>, %arg18: memref<!tpu.dma_semaphore, #tpu.memory_space<semaphore_mem>>) attributes {dimension_semantics = [#tpu.dimension_semantics<core_parallel>, #tpu.dimension_semantics<subcore_parallel>], iteration_bounds = array<i64: 2, 16>, scalar_prefetch = 0 : i64, scratch_operands = 12 : i64, tpu.core_type = #tpu.core_type<sc_vector_subcore>, window_params = [{transform_indices = #map}, {transform_indices = #map}, {transform_indices = #map}, {transform_indices = #map}, {transform_indices = #map}]} {
    %mul3A = arith.constant 2 : i32
    %mul3A_0 = arith.muli %arg1, %mul3A : i32
    %add3A = arith.addi %mul3A_0, %arg0 : i32
    "tpu.region"() ({
      %run_scoped3A = tpu.sem_alloc : memref<!tpu.dma_semaphore, #tpu.memory_space<semaphore_mem>>
      tpu.enqueue_dma source(%arg5 : memref<50000xi32, #tpu.memory_space<hbm>>) target(%arg7 : memref<50000xi32, #tpu.memory_space<vmem>>) target_semaphore(%run_scoped3A : memref<!tpu.dma_semaphore, #tpu.memory_space<semaphore_mem>>)
      tpu.wait_dma2 semaphore(%run_scoped3A : memref<!tpu.dma_semaphore, #tpu.memory_space<semaphore_mem>>) src(%arg5 : memref<50000xi32, #tpu.memory_space<hbm>>) dst(%arg7 : memref<50000xi32, #tpu.memory_space<vmem>>)
      tpu.yield
    }) : () -> ()
    %broadcast_in_dim3A = arith.constant 50000 : i32
    %broadcast_in_dim3A_1 = vector.broadcast %broadcast_in_dim3A : i32 to vector<16xi32>
    %mul3A_2 = arith.constant 14 : i32
    %mul3A_3 = arith.muli %add3A, %mul3A_2 : i32
    %add3A_4 = arith.constant 0 : i32
    %add3A_5 = arith.addi %mul3A_3, %add3A_4 : i32
    %mul3A_6 = arith.constant 2048 : i32
    %mul3A_7 = arith.muli %add3A_5, %mul3A_6 : i32
    %min3A = arith.constant 797952 : i32
    %min3A_8 = arith.minsi %mul3A_7, %min3A : i32
    %dma_start3A = tpu.memref_slice %arg2[%min3A_8] : memref<800000xi32, #tpu.memory_space<hbm>> -> memref<2048xi32, #tpu.memory_space<hbm>>
    %dma_start3A_9 = tpu.memref_slice %arg2[%min3A_8] : memref<800000xi32, #tpu.memory_space<hbm>> -> memref<2048xi32, #tpu.memory_space<hbm>>
    tpu.enqueue_dma source(%dma_start3A_9 : memref<2048xi32, #tpu.memory_space<hbm>>) target(%arg8 : memref<2048xi32, #tpu.memory_space<vmem>>) target_semaphore(%arg16 : memref<!tpu.dma_semaphore, #tpu.memory_space<semaphore_mem>>)
    %dma_start3A_10 = tpu.memref_slice %arg3[%min3A_8] : memref<800000xi32, #tpu.memory_space<hbm>> -> memref<2048xi32, #tpu.memory_space<hbm>>
    %dma_start3A_11 = tpu.memref_slice %arg3[%min3A_8] : memref<800000xi32, #tpu.memory_space<hbm>> -> memref<2048xi32, #tpu.memory_space<hbm>>
    tpu.enqueue_dma source(%dma_start3A_11 : memref<2048xi32, #tpu.memory_space<hbm>>) target(%arg9 : memref<2048xi32, #tpu.memory_space<vmem>>) target_semaphore(%arg16 : memref<!tpu.dma_semaphore, #tpu.memory_space<semaphore_mem>>)
    %dma_start3A_12 = tpu.memref_slice %arg4[%min3A_8] : memref<800000xi32, #tpu.memory_space<hbm>> -> memref<2048xi32, #tpu.memory_space<hbm>>
    %dma_start3A_13 = tpu.memref_slice %arg4[%min3A_8] : memref<800000xi32, #tpu.memory_space<hbm>> -> memref<2048xi32, #tpu.memory_space<hbm>>
    tpu.enqueue_dma source(%dma_start3A_13 : memref<2048xi32, #tpu.memory_space<hbm>>) target(%arg10 : memref<2048xi32, #tpu.memory_space<vmem>>) target_semaphore(%arg16 : memref<!tpu.dma_semaphore, #tpu.memory_space<semaphore_mem>>)
    %mul3A_14 = arith.constant 14 : i32
    %mul3A_15 = arith.muli %add3A, %mul3A_14 : i32
    %add3A_16 = arith.constant 1 : i32
    %add3A_17 = arith.addi %mul3A_15, %add3A_16 : i32
    %mul3A_18 = arith.constant 2048 : i32
    %mul3A_19 = arith.muli %add3A_17, %mul3A_18 : i32
    %min3A_20 = arith.constant 797952 : i32
    %min3A_21 = arith.minsi %mul3A_19, %min3A_20 : i32
    %dma_start3A_22 = tpu.memref_slice %arg2[%min3A_21] : memref<800000xi32, #tpu.memory_space<hbm>> -> memref<2048xi32, #tpu.memory_space<hbm>>
    %dma_start3A_23 = tpu.memref_slice %arg2[%min3A_21] : memref<800000xi32, #tpu.memory_space<hbm>> -> memref<2048xi32, #tpu.memory_space<hbm>>
    tpu.enqueue_dma source(%dma_start3A_23 : memref<2048xi32, #tpu.memory_space<hbm>>) target(%arg12 : memref<2048xi32, #tpu.memory_space<vmem>>) target_semaphore(%arg17 : memref<!tpu.dma_semaphore, #tpu.memory_space<semaphore_mem>>)
    %dma_start3A_24 = tpu.memref_slice %arg3[%min3A_21] : memref<800000xi32, #tpu.memory_space<hbm>> -> memref<2048xi32, #tpu.memory_space<hbm>>
    %dma_start3A_25 = tpu.memref_slice %arg3[%min3A_21] : memref<800000xi32, #tpu.memory_space<hbm>> -> memref<2048xi32, #tpu.memory_space<hbm>>
    tpu.enqueue_dma source(%dma_start3A_25 : memref<2048xi32, #tpu.memory_space<hbm>>) target(%arg13 : memref<2048xi32, #tpu.memory_space<vmem>>) target_semaphore(%arg17 : memref<!tpu.dma_semaphore, #tpu.memory_space<semaphore_mem>>)
    %dma_start3A_26 = tpu.memref_slice %arg4[%min3A_21] : memref<800000xi32, #tpu.memory_space<hbm>> -> memref<2048xi32, #tpu.memory_space<hbm>>
    %dma_start3A_27 = tpu.memref_slice %arg4[%min3A_21] : memref<800000xi32, #tpu.memory_space<hbm>> -> memref<2048xi32, #tpu.memory_space<hbm>>
    tpu.enqueue_dma source(%dma_start3A_27 : memref<2048xi32, #tpu.memory_space<hbm>>) target(%arg14 : memref<2048xi32, #tpu.memory_space<vmem>>) target_semaphore(%arg17 : memref<!tpu.dma_semaphore, #tpu.memory_space<semaphore_mem>>)
    %scan3A = arith.constant 0 : i32
    %scan3A_28 = arith.constant 0 : i32
    %scan3A_29 = arith.constant 7 : i32
    %scan3A_30 = arith.addi %scan3A_28, %scan3A_29 : i32
    %scan3A_31 = arith.constant 1 : i32
    scf.for %scan3A_33 = %scan3A_28 to %scan3A_30 step %scan3A_31  : i32 {
      %mul3A_34 = arith.constant 2 : i32
      %mul3A_35 = arith.muli %mul3A_34, %scan3A_33 : i32
      %dma_wait3A = arith.constant 0 : i32
      %dma_wait3A_36 = tpu.memref_slice %arg2[%dma_wait3A] : memref<800000xi32, #tpu.memory_space<hbm>> -> memref<2048xi32, #tpu.memory_space<hbm>>
      %dma_wait3A_37 = arith.constant 0 : i32
      %dma_wait3A_38 = tpu.memref_slice %arg2[%dma_wait3A_37] : memref<800000xi32, #tpu.memory_space<hbm>> -> memref<2048xi32, #tpu.memory_space<hbm>>
      tpu.wait_dma2 semaphore(%arg16 : memref<!tpu.dma_semaphore, #tpu.memory_space<semaphore_mem>>) src(%dma_wait3A_38 : memref<2048xi32, #tpu.memory_space<hbm>>) dst(%arg8 : memref<2048xi32, #tpu.memory_space<vmem>>)
      %dma_wait3A_39 = arith.constant 0 : i32
      %dma_wait3A_40 = tpu.memref_slice %arg3[%dma_wait3A_39] : memref<800000xi32, #tpu.memory_space<hbm>> -> memref<2048xi32, #tpu.memory_space<hbm>>
      %dma_wait3A_41 = arith.constant 0 : i32
      %dma_wait3A_42 = tpu.memref_slice %arg3[%dma_wait3A_41] : memref<800000xi32, #tpu.memory_space<hbm>> -> memref<2048xi32, #tpu.memory_space<hbm>>
      tpu.wait_dma2 semaphore(%arg16 : memref<!tpu.dma_semaphore, #tpu.memory_space<semaphore_mem>>) src(%dma_wait3A_42 : memref<2048xi32, #tpu.memory_space<hbm>>) dst(%arg9 : memref<2048xi32, #tpu.memory_space<vmem>>)
      %dma_wait3A_43 = arith.constant 0 : i32
      %dma_wait3A_44 = tpu.memref_slice %arg4[%dma_wait3A_43] : memref<800000xi32, #tpu.memory_space<hbm>> -> memref<2048xi32, #tpu.memory_space<hbm>>
      %dma_wait3A_45 = arith.constant 0 : i32
      %dma_wait3A_46 = tpu.memref_slice %arg4[%dma_wait3A_45] : memref<800000xi32, #tpu.memory_space<hbm>> -> memref<2048xi32, #tpu.memory_space<hbm>>
      tpu.wait_dma2 semaphore(%arg16 : memref<!tpu.dma_semaphore, #tpu.memory_space<semaphore_mem>>) src(%dma_wait3A_46 : memref<2048xi32, #tpu.memory_space<hbm>>) dst(%arg10 : memref<2048xi32, #tpu.memory_space<vmem>>)
      %parallel_loop3A = arith.constant 0 : i32
      %parallel_loop3A_47 = arith.constant 128 : i32
      %parallel_loop3A_48 = arith.constant 1 : i32
      scf.for %parallel_loop3A_103 = %parallel_loop3A to %parallel_loop3A_47 step %parallel_loop3A_48  : i32 {
        %parallel_loop3A_104 = arith.constant 16 : i32
        %parallel_loop3A_105 = arith.muli %parallel_loop3A_103, %parallel_loop3A_104 : i32
        %parallel_loop3A_106 = arith.index_cast %parallel_loop3A_105 : i32 to index
        %parallel_loop3A_107 = tpu.vector_load %arg8[%parallel_loop3A_106] {strides = array<i32>} : memref<2048xi32, #tpu.memory_space<vmem>>, vector<16xi32>,
        %parallel_loop3A_108 = arith.index_cast %parallel_loop3A_105 : i32 to index
        %parallel_loop3A_109 = tpu.vector_load %arg9[%parallel_loop3A_108] {strides = array<i32>} : memref<2048xi32, #tpu.memory_space<vmem>>, vector<16xi32>,
        %parallel_loop3A_110 = arith.index_cast %parallel_loop3A_105 : i32 to index
        %parallel_loop3A_111 = tpu.vector_load %arg10[%parallel_loop3A_110] {strides = array<i32>} : memref<2048xi32, #tpu.memory_space<vmem>>, vector<16xi32>,
        %parallel_loop3A_112 = tpu.vector_load_idx %arg7[%parallel_loop3A_107] : memref<50000xi32, #tpu.memory_space<vmem>>[vector<16xi32>], vector<16xi32>,
        %parallel_loop3A_113 = tpu.vector_load_idx %arg7[%parallel_loop3A_109] : memref<50000xi32, #tpu.memory_space<vmem>>[vector<16xi32>], vector<16xi32>,
        %parallel_loop3A_114 = tpu.vector_load_idx %arg7[%parallel_loop3A_111] : memref<50000xi32, #tpu.memory_space<vmem>>[vector<16xi32>], vector<16xi32>,
        %parallel_loop3A_115 = arith.constant 1 : i32
        %parallel_loop3A_116 = vector.broadcast %parallel_loop3A_115 : i32 to vector<16xi32>
        %parallel_loop3A_117 = arith.cmpi eq, %parallel_loop3A_112, %parallel_loop3A_116 : vector<16xi32>
        %parallel_loop3A_118 = arith.constant 1 : i32
        %parallel_loop3A_119 = vector.broadcast %parallel_loop3A_118 : i32 to vector<16xi32>
        %parallel_loop3A_120 = arith.cmpi eq, %parallel_loop3A_113, %parallel_loop3A_119 : vector<16xi32>
        %parallel_loop3A_121 = arith.andi %parallel_loop3A_117, %parallel_loop3A_120 : vector<16xi1>
        %parallel_loop3A_122 = arith.constant 1 : i32
        %parallel_loop3A_123 = vector.broadcast %parallel_loop3A_122 : i32 to vector<16xi32>
        %parallel_loop3A_124 = arith.cmpi eq, %parallel_loop3A_114, %parallel_loop3A_123 : vector<16xi32>
        %parallel_loop3A_125 = arith.andi %parallel_loop3A_121, %parallel_loop3A_124 : vector<16xi1>
        %parallel_loop3A_126 = arith.select %parallel_loop3A_125, %parallel_loop3A_107, %broadcast_in_dim3A_1 : vector<16xi1>, vector<16xi32>
        %parallel_loop3A_127 = arith.index_cast %parallel_loop3A_105 : i32 to index
        %parallel_loop3A_128 = tpu.vector_load %arg11[%parallel_loop3A_127] {strides = array<i32>} : memref<2048xi32, #tpu.memory_space<vmem>>, vector<16xi32>,
        tpu.vector_store %arg11[%parallel_loop3A_127], %parallel_loop3A_126 {strides = array<i32>} : memref<2048xi32, #tpu.memory_space<vmem>>, vector<16xi32>,
      } {sc.loop_unroll_factor = 8 : i64, sc.parallel_access}
      %mul3A_49 = arith.constant 14 : i32
      %mul3A_50 = arith.muli %add3A, %mul3A_49 : i32
      %add3A_51 = arith.addi %mul3A_50, %mul3A_35 : i32
      %mul3A_52 = arith.constant 2048 : i32
      %mul3A_53 = arith.muli %add3A_51, %mul3A_52 : i32
      %min3A_54 = arith.constant 797952 : i32
      %min3A_55 = arith.minsi %mul3A_53, %min3A_54 : i32
      %dma_start3A_56 = tpu.memref_slice %arg6[%min3A_55] : memref<800000xi32, #tpu.memory_space<hbm>> -> memref<2048xi32, #tpu.memory_space<hbm>>
      %dma_start3A_57 = tpu.memref_slice %arg6[%min3A_55] : memref<800000xi32, #tpu.memory_space<hbm>> -> memref<2048xi32, #tpu.memory_space<hbm>>
      tpu.enqueue_dma source(%arg11 : memref<2048xi32, #tpu.memory_space<vmem>>) target(%dma_start3A_57 : memref<2048xi32, #tpu.memory_space<hbm>>) target_semaphore(%arg18 : memref<!tpu.dma_semaphore, #tpu.memory_space<semaphore_mem>>)
      %add3A_58 = arith.constant 2 : i32
      %add3A_59 = arith.addi %mul3A_35, %add3A_58 : i32
      %lt3A = arith.constant 14 : i32
      %lt3A_60 = arith.cmpi slt, %add3A_59, %lt3A : i32
      %convert_element_type3A = arith.extui %lt3A_60 : i1 to i32
      %cond3A = arith.constant 0 : i32
      %cond3A_61 = arith.cmpi ne, %convert_element_type3A, %cond3A : i32
      scf.if %cond3A_61 {
        %add3A_103 = arith.constant 2 : i32
        %add3A_104 = arith.addi %mul3A_35, %add3A_103 : i32
        %mul3A_105 = arith.constant 14 : i32
        %mul3A_106 = arith.muli %add3A, %mul3A_105 : i32
        %add3A_107 = arith.addi %mul3A_106, %add3A_104 : i32
        %mul3A_108 = arith.constant 2048 : i32
        %mul3A_109 = arith.muli %add3A_107, %mul3A_108 : i32
        %min3A_110 = arith.constant 797952 : i32
        %min3A_111 = arith.minsi %mul3A_109, %min3A_110 : i32
        %dma_start3A_112 = tpu.memref_slice %arg2[%min3A_111] : memref<800000xi32, #tpu.memory_space<hbm>> -> memref<2048xi32, #tpu.memory_space<hbm>>
        %dma_start3A_113 = tpu.memref_slice %arg2[%min3A_111] : memref<800000xi32, #tpu.memory_space<hbm>> -> memref<2048xi32, #tpu.memory_space<hbm>>
        tpu.enqueue_dma source(%dma_start3A_113 : memref<2048xi32, #tpu.memory_space<hbm>>) target(%arg8 : memref<2048xi32, #tpu.memory_space<vmem>>) target_semaphore(%arg16 : memref<!tpu.dma_semaphore, #tpu.memory_space<semaphore_mem>>)
        %dma_start3A_114 = tpu.memref_slice %arg3[%min3A_111] : memref<800000xi32, #tpu.memory_space<hbm>> -> memref<2048xi32, #tpu.memory_space<hbm>>
        %dma_start3A_115 = tpu.memref_slice %arg3[%min3A_111] : memref<800000xi32, #tpu.memory_space<hbm>> -> memref<2048xi32, #tpu.memory_space<hbm>>
        tpu.enqueue_dma source(%dma_start3A_115 : memref<2048xi32, #tpu.memory_space<hbm>>) target(%arg9 : memref<2048xi32, #tpu.memory_space<vmem>>) target_semaphore(%arg16 : memref<!tpu.dma_semaphore, #tpu.memory_space<semaphore_mem>>)
        %dma_start3A_116 = tpu.memref_slice %arg4[%min3A_111] : memref<800000xi32, #tpu.memory_space<hbm>> -> memref<2048xi32, #tpu.memory_space<hbm>>
        %dma_start3A_117 = tpu.memref_slice %arg4[%min3A_111] : memref<800000xi32, #tpu.memory_space<hbm>> -> memref<2048xi32, #tpu.memory_space<hbm>>
        tpu.enqueue_dma source(%dma_start3A_117 : memref<2048xi32, #tpu.memory_space<hbm>>) target(%arg10 : memref<2048xi32, #tpu.memory_space<vmem>>) target_semaphore(%arg16 : memref<!tpu.dma_semaphore, #tpu.memory_space<semaphore_mem>>)
      } else {
      }
      %dma_wait3A_62 = arith.constant 0 : i32
      %dma_wait3A_63 = tpu.memref_slice %arg2[%dma_wait3A_62] : memref<800000xi32, #tpu.memory_space<hbm>> -> memref<2048xi32, #tpu.memory_space<hbm>>
      %dma_wait3A_64 = arith.constant 0 : i32
      %dma_wait3A_65 = tpu.memref_slice %arg2[%dma_wait3A_64] : memref<800000xi32, #tpu.memory_space<hbm>> -> memref<2048xi32, #tpu.memory_space<hbm>>
      tpu.wait_dma2 semaphore(%arg17 : memref<!tpu.dma_semaphore, #tpu.memory_space<semaphore_mem>>) src(%dma_wait3A_65 : memref<2048xi32, #tpu.memory_space<hbm>>) dst(%arg12 : memref<2048xi32, #tpu.memory_space<vmem>>)
      %dma_wait3A_66 = arith.constant 0 : i32
      %dma_wait3A_67 = tpu.memref_slice %arg3[%dma_wait3A_66] : memref<800000xi32, #tpu.memory_space<hbm>> -> memref<2048xi32, #tpu.memory_space<hbm>>
      %dma_wait3A_68 = arith.constant 0 : i32
      %dma_wait3A_69 = tpu.memref_slice %arg3[%dma_wait3A_68] : memref<800000xi32, #tpu.memory_space<hbm>> -> memref<2048xi32, #tpu.memory_space<hbm>>
      tpu.wait_dma2 semaphore(%arg17 : memref<!tpu.dma_semaphore, #tpu.memory_space<semaphore_mem>>) src(%dma_wait3A_69 : memref<2048xi32, #tpu.memory_space<hbm>>) dst(%arg13 : memref<2048xi32, #tpu.memory_space<vmem>>)
      %dma_wait3A_70 = arith.constant 0 : i32
      %dma_wait3A_71 = tpu.memref_slice %arg4[%dma_wait3A_70] : memref<800000xi32, #tpu.memory_space<hbm>> -> memref<2048xi32, #tpu.memory_space<hbm>>
      %dma_wait3A_72 = arith.constant 0 : i32
      %dma_wait3A_73 = tpu.memref_slice %arg4[%dma_wait3A_72] : memref<800000xi32, #tpu.memory_space<hbm>> -> memref<2048xi32, #tpu.memory_space<hbm>>
      tpu.wait_dma2 semaphore(%arg17 : memref<!tpu.dma_semaphore, #tpu.memory_space<semaphore_mem>>) src(%dma_wait3A_73 : memref<2048xi32, #tpu.memory_space<hbm>>) dst(%arg14 : memref<2048xi32, #tpu.memory_space<vmem>>)
      %add3A_74 = arith.constant 1 : i32
      %add3A_75 = arith.addi %mul3A_35, %add3A_74 : i32
      %parallel_loop3A_76 = arith.constant 0 : i32
      %parallel_loop3A_77 = arith.constant 128 : i32
      %parallel_loop3A_78 = arith.constant 1 : i32
      scf.for %parallel_loop3A_103 = %parallel_loop3A_76 to %parallel_loop3A_77 step %parallel_loop3A_78  : i32 {
        %parallel_loop3A_104 = arith.constant 16 : i32
        %parallel_loop3A_105 = arith.muli %parallel_loop3A_103, %parallel_loop3A_104 : i32
        %parallel_loop3A_106 = arith.index_cast %parallel_loop3A_105 : i32 to index
        %parallel_loop3A_107 = tpu.vector_load %arg12[%parallel_loop3A_106] {strides = array<i32>} : memref<2048xi32, #tpu.memory_space<vmem>>, vector<16xi32>,
        %parallel_loop3A_108 = arith.index_cast %parallel_loop3A_105 : i32 to index
        %parallel_loop3A_109 = tpu.vector_load %arg13[%parallel_loop3A_108] {strides = array<i32>} : memref<2048xi32, #tpu.memory_space<vmem>>, vector<16xi32>,
        %parallel_loop3A_110 = arith.index_cast %parallel_loop3A_105 : i32 to index
        %parallel_loop3A_111 = tpu.vector_load %arg14[%parallel_loop3A_110] {strides = array<i32>} : memref<2048xi32, #tpu.memory_space<vmem>>, vector<16xi32>,
        %parallel_loop3A_112 = tpu.vector_load_idx %arg7[%parallel_loop3A_107] : memref<50000xi32, #tpu.memory_space<vmem>>[vector<16xi32>], vector<16xi32>,
        %parallel_loop3A_113 = tpu.vector_load_idx %arg7[%parallel_loop3A_109] : memref<50000xi32, #tpu.memory_space<vmem>>[vector<16xi32>], vector<16xi32>,
        %parallel_loop3A_114 = tpu.vector_load_idx %arg7[%parallel_loop3A_111] : memref<50000xi32, #tpu.memory_space<vmem>>[vector<16xi32>], vector<16xi32>,
        %parallel_loop3A_115 = arith.constant 1 : i32
        %parallel_loop3A_116 = vector.broadcast %parallel_loop3A_115 : i32 to vector<16xi32>
        %parallel_loop3A_117 = arith.cmpi eq, %parallel_loop3A_112, %parallel_loop3A_116 : vector<16xi32>
        %parallel_loop3A_118 = arith.constant 1 : i32
        %parallel_loop3A_119 = vector.broadcast %parallel_loop3A_118 : i32 to vector<16xi32>
        %parallel_loop3A_120 = arith.cmpi eq, %parallel_loop3A_113, %parallel_loop3A_119 : vector<16xi32>
        %parallel_loop3A_121 = arith.andi %parallel_loop3A_117, %parallel_loop3A_120 : vector<16xi1>
        %parallel_loop3A_122 = arith.constant 1 : i32
        %parallel_loop3A_123 = vector.broadcast %parallel_loop3A_122 : i32 to vector<16xi32>
        %parallel_loop3A_124 = arith.cmpi eq, %parallel_loop3A_114, %parallel_loop3A_123 : vector<16xi32>
        %parallel_loop3A_125 = arith.andi %parallel_loop3A_121, %parallel_loop3A_124 : vector<16xi1>
        %parallel_loop3A_126 = arith.select %parallel_loop3A_125, %parallel_loop3A_107, %broadcast_in_dim3A_1 : vector<16xi1>, vector<16xi32>
        %parallel_loop3A_127 = arith.index_cast %parallel_loop3A_105 : i32 to index
        %parallel_loop3A_128 = tpu.vector_load %arg15[%parallel_loop3A_127] {strides = array<i32>} : memref<2048xi32, #tpu.memory_space<vmem>>, vector<16xi32>,
        tpu.vector_store %arg15[%parallel_loop3A_127], %parallel_loop3A_126 {strides = array<i32>} : memref<2048xi32, #tpu.memory_space<vmem>>, vector<16xi32>,
      } {sc.loop_unroll_factor = 8 : i64, sc.parallel_access}
      %mul3A_79 = arith.constant 14 : i32
      %mul3A_80 = arith.muli %add3A, %mul3A_79 : i32
      %add3A_81 = arith.addi %mul3A_80, %add3A_75 : i32
      %mul3A_82 = arith.constant 2048 : i32
      %mul3A_83 = arith.muli %add3A_81, %mul3A_82 : i32
      %min3A_84 = arith.constant 797952 : i32
      %min3A_85 = arith.minsi %mul3A_83, %min3A_84 : i32
      %dma_start3A_86 = tpu.memref_slice %arg6[%min3A_85] : memref<800000xi32, #tpu.memory_space<hbm>> -> memref<2048xi32, #tpu.memory_space<hbm>>
      %dma_start3A_87 = tpu.memref_slice %arg6[%min3A_85] : memref<800000xi32, #tpu.memory_space<hbm>> -> memref<2048xi32, #tpu.memory_space<hbm>>
      tpu.enqueue_dma source(%arg15 : memref<2048xi32, #tpu.memory_space<vmem>>) target(%dma_start3A_87 : memref<2048xi32, #tpu.memory_space<hbm>>) target_semaphore(%arg18 : memref<!tpu.dma_semaphore, #tpu.memory_space<semaphore_mem>>)
      %add3A_88 = arith.constant 3 : i32
      %add3A_89 = arith.addi %mul3A_35, %add3A_88 : i32
      %lt3A_90 = arith.constant 14 : i32
      %lt3A_91 = arith.cmpi slt, %add3A_89, %lt3A_90 : i32
      %convert_element_type3A_92 = arith.extui %lt3A_91 : i1 to i32
      %cond3A_93 = arith.constant 0 : i32
      %cond3A_94 = arith.cmpi ne, %convert_element_type3A_92, %cond3A_93 : i32
      scf.if %cond3A_94 {
        %add3A_103 = arith.constant 3 : i32
        %add3A_104 = arith.addi %mul3A_35, %add3A_103 : i32
        %mul3A_105 = arith.constant 14 : i32
        %mul3A_106 = arith.muli %add3A, %mul3A_105 : i32
        %add3A_107 = arith.addi %mul3A_106, %add3A_104 : i32
        %mul3A_108 = arith.constant 2048 : i32
        %mul3A_109 = arith.muli %add3A_107, %mul3A_108 : i32
        %min3A_110 = arith.constant 797952 : i32
        %min3A_111 = arith.minsi %mul3A_109, %min3A_110 : i32
        %dma_start3A_112 = tpu.memref_slice %arg2[%min3A_111] : memref<800000xi32, #tpu.memory_space<hbm>> -> memref<2048xi32, #tpu.memory_space<hbm>>
        %dma_start3A_113 = tpu.memref_slice %arg2[%min3A_111] : memref<800000xi32, #tpu.memory_space<hbm>> -> memref<2048xi32, #tpu.memory_space<hbm>>
        tpu.enqueue_dma source(%dma_start3A_113 : memref<2048xi32, #tpu.memory_space<hbm>>) target(%arg12 : memref<2048xi32, #tpu.memory_space<vmem>>) target_semaphore(%arg17 : memref<!tpu.dma_semaphore, #tpu.memory_space<semaphore_mem>>)
        %dma_start3A_114 = tpu.memref_slice %arg3[%min3A_111] : memref<800000xi32, #tpu.memory_space<hbm>> -> memref<2048xi32, #tpu.memory_space<hbm>>
        %dma_start3A_115 = tpu.memref_slice %arg3[%min3A_111] : memref<800000xi32, #tpu.memory_space<hbm>> -> memref<2048xi32, #tpu.memory_space<hbm>>
        tpu.enqueue_dma source(%dma_start3A_115 : memref<2048xi32, #tpu.memory_space<hbm>>) target(%arg13 : memref<2048xi32, #tpu.memory_space<vmem>>) target_semaphore(%arg17 : memref<!tpu.dma_semaphore, #tpu.memory_space<semaphore_mem>>)
        %dma_start3A_116 = tpu.memref_slice %arg4[%min3A_111] : memref<800000xi32, #tpu.memory_space<hbm>> -> memref<2048xi32, #tpu.memory_space<hbm>>
        %dma_start3A_117 = tpu.memref_slice %arg4[%min3A_111] : memref<800000xi32, #tpu.memory_space<hbm>> -> memref<2048xi32, #tpu.memory_space<hbm>>
        tpu.enqueue_dma source(%dma_start3A_117 : memref<2048xi32, #tpu.memory_space<hbm>>) target(%arg14 : memref<2048xi32, #tpu.memory_space<vmem>>) target_semaphore(%arg17 : memref<!tpu.dma_semaphore, #tpu.memory_space<semaphore_mem>>)
      } else {
      }
      %dma_wait3A_95 = arith.constant 0 : i32
      %dma_wait3A_96 = tpu.memref_slice %arg6[%dma_wait3A_95] : memref<800000xi32, #tpu.memory_space<hbm>> -> memref<2048xi32, #tpu.memory_space<hbm>>
      %dma_wait3A_97 = arith.constant 0 : i32
      %dma_wait3A_98 = tpu.memref_slice %arg6[%dma_wait3A_97] : memref<800000xi32, #tpu.memory_space<hbm>> -> memref<2048xi32, #tpu.memory_space<hbm>>
      tpu.wait_dma2 semaphore(%arg18 : memref<!tpu.dma_semaphore, #tpu.memory_space<semaphore_mem>>) src(%arg11 : memref<2048xi32, #tpu.memory_space<vmem>>) dst(%dma_wait3A_98 : memref<2048xi32, #tpu.memory_space<hbm>>)
      %dma_wait3A_99 = arith.constant 0 : i32
      %dma_wait3A_100 = tpu.memref_slice %arg6[%dma_wait3A_99] : memref<800000xi32, #tpu.memory_space<hbm>> -> memref<2048xi32, #tpu.memory_space<hbm>>
      %dma_wait3A_101 = arith.constant 0 : i32
      %dma_wait3A_102 = tpu.memref_slice %arg6[%dma_wait3A_101] : memref<800000xi32, #tpu.memory_space<hbm>> -> memref<2048xi32, #tpu.memory_space<hbm>>
      tpu.wait_dma2 semaphore(%arg18 : memref<!tpu.dma_semaphore, #tpu.memory_space<semaphore_mem>>) src(%arg15 : memref<2048xi32, #tpu.memory_space<vmem>>) dst(%dma_wait3A_102 : memref<2048xi32, #tpu.memory_space<hbm>>)
    }
    %scan3A_32 = arith.constant 7 : i32
    return
  }
}

#map = affine_map<(d0, d1) -> (0, 0, 0)>
#map1 = affine_map<(d0, d1) -> (0)>
#map2 = affine_map<(d0, d1) -> (0, 0)>
module attributes {stable_mosaic.version = 14 : i64} {
  func.func @_sc_body(%arg0: i32, %arg1: i32, %arg2: memref<32x4x16xf32, #tpu.memory_space<hbm>>, %arg3: memref<800000xi32, #tpu.memory_space<hbm>>, %arg4: memref<800000xf32, #tpu.memory_space<hbm>>, %arg5: memref<800000xf32, #tpu.memory_space<hbm>>, %arg6: memref<64x50016xf32, #tpu.memory_space<hbm>>, %arg7: memref<50016xf32, #tpu.memory_space<vmem>>, %arg8: memref<50016xf32, #tpu.memory_space<vmem>>, %arg9: memref<4x16xf32, #tpu.memory_space<vmem>>, %arg10: memref<4000xi32, #tpu.memory_space<vmem>>, %arg11: memref<4000xf32, #tpu.memory_space<vmem>>, %arg12: memref<4000xf32, #tpu.memory_space<vmem>>, %arg13: memref<4000xi32, #tpu.memory_space<vmem>>, %arg14: memref<4000xf32, #tpu.memory_space<vmem>>, %arg15: memref<4000xf32, #tpu.memory_space<vmem>>, %arg16: memref<!tpu.dma_semaphore, #tpu.memory_space<semaphore_mem>>, %arg17: memref<!tpu.dma_semaphore, #tpu.memory_space<semaphore_mem>>) attributes {dimension_semantics = [#tpu.dimension_semantics<core_parallel>, #tpu.dimension_semantics<subcore_parallel>], iteration_bounds = array<i64: 2, 16>, scalar_prefetch = 0 : i64, scratch_operands = 11 : i64, tpu.core_type = #tpu.core_type<sc_vector_subcore>, window_params = [{transform_indices = #map}, {transform_indices = #map1}, {transform_indices = #map1}, {transform_indices = #map1}, {transform_indices = #map2}]} {
    %mul3A = arith.constant 2 : i32
    %mul3A_0 = arith.muli %arg1, %mul3A : i32
    %add3A = arith.addi %mul3A_0, %arg0 : i32
    "tpu.region"() ({
      %run_scoped3A = tpu.sem_alloc : memref<!tpu.dma_semaphore, #tpu.memory_space<semaphore_mem>>
      %dma_start3A_54 = arith.constant 0 : i32
      %dma_start3A_55 = arith.constant 0 : i32
      %dma_start3A_56 = tpu.memref_slice %arg2[%add3A, %dma_start3A_54, %dma_start3A_55] : memref<32x4x16xf32, #tpu.memory_space<hbm>> -> memref<1x4x16xf32, #tpu.memory_space<hbm>>
      %dma_start3A_57 = tpu.memref_squeeze %dma_start3A_56 : memref<1x4x16xf32, #tpu.memory_space<hbm>> -> memref<4x16xf32, #tpu.memory_space<hbm>>
      %dma_start3A_58 = arith.constant 0 : i32
      %dma_start3A_59 = arith.constant 0 : i32
      %dma_start3A_60 = tpu.memref_slice %arg2[%add3A, %dma_start3A_58, %dma_start3A_59] : memref<32x4x16xf32, #tpu.memory_space<hbm>> -> memref<1x4x16xf32, #tpu.memory_space<hbm>>
      %dma_start3A_61 = tpu.memref_squeeze %dma_start3A_60 : memref<1x4x16xf32, #tpu.memory_space<hbm>> -> memref<4x16xf32, #tpu.memory_space<hbm>>
      tpu.enqueue_dma source(%dma_start3A_61 : memref<4x16xf32, #tpu.memory_space<hbm>>) target(%arg9 : memref<4x16xf32, #tpu.memory_space<vmem>>) target_semaphore(%run_scoped3A : memref<!tpu.dma_semaphore, #tpu.memory_space<semaphore_mem>>)
      %dma_wait3A = arith.constant 0 : i32
      %dma_wait3A_62 = arith.constant 0 : i32
      %dma_wait3A_63 = tpu.memref_slice %arg2[%add3A, %dma_wait3A, %dma_wait3A_62] : memref<32x4x16xf32, #tpu.memory_space<hbm>> -> memref<1x4x16xf32, #tpu.memory_space<hbm>>
      %dma_wait3A_64 = tpu.memref_squeeze %dma_wait3A_63 : memref<1x4x16xf32, #tpu.memory_space<hbm>> -> memref<4x16xf32, #tpu.memory_space<hbm>>
      %dma_wait3A_65 = arith.constant 0 : i32
      %dma_wait3A_66 = arith.constant 0 : i32
      %dma_wait3A_67 = tpu.memref_slice %arg2[%add3A, %dma_wait3A_65, %dma_wait3A_66] : memref<32x4x16xf32, #tpu.memory_space<hbm>> -> memref<1x4x16xf32, #tpu.memory_space<hbm>>
      %dma_wait3A_68 = tpu.memref_squeeze %dma_wait3A_67 : memref<1x4x16xf32, #tpu.memory_space<hbm>> -> memref<4x16xf32, #tpu.memory_space<hbm>>
      tpu.wait_dma2 semaphore(%run_scoped3A : memref<!tpu.dma_semaphore, #tpu.memory_space<semaphore_mem>>) src(%dma_wait3A_68 : memref<4x16xf32, #tpu.memory_space<hbm>>) dst(%arg9 : memref<4x16xf32, #tpu.memory_space<vmem>>)
      tpu.yield
    }) : () -> ()
    %get3A = arith.constant 0 : i32
    %get3A_1 = arith.index_cast %get3A : i32 to index
    %get3A_2 = arith.constant 0 : index
    %get3A_3 = tpu.vector_load %arg9[%get3A_1, %get3A_2] {strides = array<i32>} : memref<4x16xf32, #tpu.memory_space<vmem>>, vector<16xf32>,
    %get3A_4 = arith.constant 1 : i32
    %get3A_5 = arith.index_cast %get3A_4 : i32 to index
    %get3A_6 = arith.constant 0 : index
    %get3A_7 = tpu.vector_load %arg9[%get3A_5, %get3A_6] {strides = array<i32>} : memref<4x16xf32, #tpu.memory_space<vmem>>, vector<16xf32>,
    %get3A_8 = arith.constant 2 : i32
    %get3A_9 = arith.index_cast %get3A_8 : i32 to index
    %get3A_10 = arith.constant 0 : index
    %get3A_11 = tpu.vector_load %arg9[%get3A_9, %get3A_10] {strides = array<i32>} : memref<4x16xf32, #tpu.memory_space<vmem>>, vector<16xf32>,
    %mul3A_12 = arith.constant 6 : i32
    %mul3A_13 = arith.muli %add3A, %mul3A_12 : i32
    %add3A_14 = arith.constant 0 : i32
    %add3A_15 = arith.addi %add3A_14, %mul3A_13 : i32
    %ge3A = arith.constant 200 : i32
    %ge3A_16 = arith.cmpi sge, %add3A_15, %ge3A : i32
    %sub3A = arith.constant 200 : i32
    %sub3A_17 = arith.subi %add3A_15, %sub3A : i32
    %select_n3A = arith.select %ge3A_16, %sub3A_17, %add3A_15 : i32
    %mul3A_18 = arith.constant 4000 : i32
    %mul3A_19 = arith.muli %select_n3A, %mul3A_18 : i32
    %dma_start3A = tpu.memref_slice %arg3[%mul3A_19] : memref<800000xi32, #tpu.memory_space<hbm>> -> memref<4000xi32, #tpu.memory_space<hbm>>
    %dma_start3A_20 = tpu.memref_slice %arg3[%mul3A_19] : memref<800000xi32, #tpu.memory_space<hbm>> -> memref<4000xi32, #tpu.memory_space<hbm>>
    tpu.enqueue_dma source(%dma_start3A_20 : memref<4000xi32, #tpu.memory_space<hbm>>) target(%arg10 : memref<4000xi32, #tpu.memory_space<vmem>>) target_semaphore(%arg16 : memref<!tpu.dma_semaphore, #tpu.memory_space<semaphore_mem>>)
    %dma_start3A_21 = tpu.memref_slice %arg4[%mul3A_19] : memref<800000xf32, #tpu.memory_space<hbm>> -> memref<4000xf32, #tpu.memory_space<hbm>>
    %dma_start3A_22 = tpu.memref_slice %arg4[%mul3A_19] : memref<800000xf32, #tpu.memory_space<hbm>> -> memref<4000xf32, #tpu.memory_space<hbm>>
    tpu.enqueue_dma source(%dma_start3A_22 : memref<4000xf32, #tpu.memory_space<hbm>>) target(%arg11 : memref<4000xf32, #tpu.memory_space<vmem>>) target_semaphore(%arg16 : memref<!tpu.dma_semaphore, #tpu.memory_space<semaphore_mem>>)
    %dma_start3A_23 = tpu.memref_slice %arg5[%mul3A_19] : memref<800000xf32, #tpu.memory_space<hbm>> -> memref<4000xf32, #tpu.memory_space<hbm>>
    %dma_start3A_24 = tpu.memref_slice %arg5[%mul3A_19] : memref<800000xf32, #tpu.memory_space<hbm>> -> memref<4000xf32, #tpu.memory_space<hbm>>
    tpu.enqueue_dma source(%dma_start3A_24 : memref<4000xf32, #tpu.memory_space<hbm>>) target(%arg12 : memref<4000xf32, #tpu.memory_space<vmem>>) target_semaphore(%arg16 : memref<!tpu.dma_semaphore, #tpu.memory_space<semaphore_mem>>)
    %add3A_25 = arith.constant 1 : i32
    %add3A_26 = arith.addi %add3A_25, %mul3A_13 : i32
    %ge3A_27 = arith.constant 200 : i32
    %ge3A_28 = arith.cmpi sge, %add3A_26, %ge3A_27 : i32
    %sub3A_29 = arith.constant 200 : i32
    %sub3A_30 = arith.subi %add3A_26, %sub3A_29 : i32
    %select_n3A_31 = arith.select %ge3A_28, %sub3A_30, %add3A_26 : i32
    %mul3A_32 = arith.constant 4000 : i32
    %mul3A_33 = arith.muli %select_n3A_31, %mul3A_32 : i32
    %dma_start3A_34 = tpu.memref_slice %arg3[%mul3A_33] : memref<800000xi32, #tpu.memory_space<hbm>> -> memref<4000xi32, #tpu.memory_space<hbm>>
    %dma_start3A_35 = tpu.memref_slice %arg3[%mul3A_33] : memref<800000xi32, #tpu.memory_space<hbm>> -> memref<4000xi32, #tpu.memory_space<hbm>>
    tpu.enqueue_dma source(%dma_start3A_35 : memref<4000xi32, #tpu.memory_space<hbm>>) target(%arg13 : memref<4000xi32, #tpu.memory_space<vmem>>) target_semaphore(%arg17 : memref<!tpu.dma_semaphore, #tpu.memory_space<semaphore_mem>>)
    %dma_start3A_36 = tpu.memref_slice %arg4[%mul3A_33] : memref<800000xf32, #tpu.memory_space<hbm>> -> memref<4000xf32, #tpu.memory_space<hbm>>
    %dma_start3A_37 = tpu.memref_slice %arg4[%mul3A_33] : memref<800000xf32, #tpu.memory_space<hbm>> -> memref<4000xf32, #tpu.memory_space<hbm>>
    tpu.enqueue_dma source(%dma_start3A_37 : memref<4000xf32, #tpu.memory_space<hbm>>) target(%arg14 : memref<4000xf32, #tpu.memory_space<vmem>>) target_semaphore(%arg17 : memref<!tpu.dma_semaphore, #tpu.memory_space<semaphore_mem>>)
    %dma_start3A_38 = tpu.memref_slice %arg5[%mul3A_33] : memref<800000xf32, #tpu.memory_space<hbm>> -> memref<4000xf32, #tpu.memory_space<hbm>>
    %dma_start3A_39 = tpu.memref_slice %arg5[%mul3A_33] : memref<800000xf32, #tpu.memory_space<hbm>> -> memref<4000xf32, #tpu.memory_space<hbm>>
    tpu.enqueue_dma source(%dma_start3A_39 : memref<4000xf32, #tpu.memory_space<hbm>>) target(%arg15 : memref<4000xf32, #tpu.memory_space<vmem>>) target_semaphore(%arg17 : memref<!tpu.dma_semaphore, #tpu.memory_space<semaphore_mem>>)
    %broadcast_in_dim3A = arith.constant 0.000000e+00 : f32
    %broadcast_in_dim3A_40 = vector.broadcast %broadcast_in_dim3A : f32 to vector<16xf32>
    %parallel_loop3A = arith.constant 0 : i32
    %parallel_loop3A_41 = arith.constant 3126 : i32
    %parallel_loop3A_42 = arith.constant 1 : i32
    scf.for %parallel_loop3A_54 = %parallel_loop3A to %parallel_loop3A_41 step %parallel_loop3A_42  : i32 {
      %parallel_loop3A_55 = arith.constant 16 : i32
      %parallel_loop3A_56 = arith.muli %parallel_loop3A_54, %parallel_loop3A_55 : i32
      %parallel_loop3A_57 = arith.index_cast %parallel_loop3A_56 : i32 to index
      %parallel_loop3A_58 = tpu.vector_load %arg7[%parallel_loop3A_57] {strides = array<i32>} : memref<50016xf32, #tpu.memory_space<vmem>>, vector<16xf32>,
      tpu.vector_store %arg7[%parallel_loop3A_57], %broadcast_in_dim3A_40 {strides = array<i32>} : memref<50016xf32, #tpu.memory_space<vmem>>, vector<16xf32>,
      %parallel_loop3A_59 = arith.constant 16 : i32
      %parallel_loop3A_60 = arith.muli %parallel_loop3A_54, %parallel_loop3A_59 : i32
      %parallel_loop3A_61 = arith.index_cast %parallel_loop3A_60 : i32 to index
      %parallel_loop3A_62 = tpu.vector_load %arg8[%parallel_loop3A_61] {strides = array<i32>} : memref<50016xf32, #tpu.memory_space<vmem>>, vector<16xf32>,
      tpu.vector_store %arg8[%parallel_loop3A_61], %broadcast_in_dim3A_40 {strides = array<i32>} : memref<50016xf32, #tpu.memory_space<vmem>>, vector<16xf32>,
    } {sc.loop_unroll_factor = 8 : i64, sc.parallel_access}
    %scan3A = arith.constant 0 : i32
    %scan3A_43 = arith.constant 0 : i32
    %scan3A_44 = arith.constant 100 : i32
    %scan3A_45 = arith.addi %scan3A_43, %scan3A_44 : i32
    %scan3A_46 = arith.constant 1 : i32
    scf.for %scan3A_54 = %scan3A_43 to %scan3A_45 step %scan3A_46  : i32 {
      %mul3A_55 = arith.constant 2 : i32
      %mul3A_56 = arith.muli %mul3A_55, %scan3A_54 : i32
      %dma_wait3A = arith.constant 0 : i32
      %dma_wait3A_57 = tpu.memref_slice %arg3[%dma_wait3A] : memref<800000xi32, #tpu.memory_space<hbm>> -> memref<4000xi32, #tpu.memory_space<hbm>>
      %dma_wait3A_58 = arith.constant 0 : i32
      %dma_wait3A_59 = tpu.memref_slice %arg3[%dma_wait3A_58] : memref<800000xi32, #tpu.memory_space<hbm>> -> memref<4000xi32, #tpu.memory_space<hbm>>
      tpu.wait_dma2 semaphore(%arg16 : memref<!tpu.dma_semaphore, #tpu.memory_space<semaphore_mem>>) src(%dma_wait3A_59 : memref<4000xi32, #tpu.memory_space<hbm>>) dst(%arg10 : memref<4000xi32, #tpu.memory_space<vmem>>)
      %dma_wait3A_60 = arith.constant 0 : i32
      %dma_wait3A_61 = tpu.memref_slice %arg4[%dma_wait3A_60] : memref<800000xf32, #tpu.memory_space<hbm>> -> memref<4000xf32, #tpu.memory_space<hbm>>
      %dma_wait3A_62 = arith.constant 0 : i32
      %dma_wait3A_63 = tpu.memref_slice %arg4[%dma_wait3A_62] : memref<800000xf32, #tpu.memory_space<hbm>> -> memref<4000xf32, #tpu.memory_space<hbm>>
      tpu.wait_dma2 semaphore(%arg16 : memref<!tpu.dma_semaphore, #tpu.memory_space<semaphore_mem>>) src(%dma_wait3A_63 : memref<4000xf32, #tpu.memory_space<hbm>>) dst(%arg11 : memref<4000xf32, #tpu.memory_space<vmem>>)
      %dma_wait3A_64 = arith.constant 0 : i32
      %dma_wait3A_65 = tpu.memref_slice %arg5[%dma_wait3A_64] : memref<800000xf32, #tpu.memory_space<hbm>> -> memref<4000xf32, #tpu.memory_space<hbm>>
      %dma_wait3A_66 = arith.constant 0 : i32
      %dma_wait3A_67 = tpu.memref_slice %arg5[%dma_wait3A_66] : memref<800000xf32, #tpu.memory_space<hbm>> -> memref<4000xf32, #tpu.memory_space<hbm>>
      tpu.wait_dma2 semaphore(%arg16 : memref<!tpu.dma_semaphore, #tpu.memory_space<semaphore_mem>>) src(%dma_wait3A_67 : memref<4000xf32, #tpu.memory_space<hbm>>) dst(%arg12 : memref<4000xf32, #tpu.memory_space<vmem>>)
      %parallel_loop3A_68 = arith.constant 0 : i32
      %parallel_loop3A_69 = arith.constant 250 : i32
      %parallel_loop3A_70 = arith.constant 1 : i32
      scf.for %parallel_loop3A_97 = %parallel_loop3A_68 to %parallel_loop3A_69 step %parallel_loop3A_70  : i32 {
        %parallel_loop3A_98 = arith.constant 16 : i32
        %parallel_loop3A_99 = arith.muli %parallel_loop3A_97, %parallel_loop3A_98 : i32
        %parallel_loop3A_100 = arith.index_cast %parallel_loop3A_99 : i32 to index
        %parallel_loop3A_101 = tpu.vector_load %arg10[%parallel_loop3A_100] {strides = array<i32>} : memref<4000xi32, #tpu.memory_space<vmem>>, vector<16xi32>,
        %parallel_loop3A_102 = arith.index_cast %parallel_loop3A_99 : i32 to index
        %parallel_loop3A_103 = tpu.vector_load %arg11[%parallel_loop3A_102] {strides = array<i32>} : memref<4000xf32, #tpu.memory_space<vmem>>, vector<16xf32>,
        %parallel_loop3A_104 = arith.index_cast %parallel_loop3A_99 : i32 to index
        %parallel_loop3A_105 = tpu.vector_load %arg12[%parallel_loop3A_104] {strides = array<i32>} : memref<4000xf32, #tpu.memory_space<vmem>>, vector<16xf32>,
        %parallel_loop3A_106 = arith.mulf %parallel_loop3A_103, %get3A_3 : vector<16xf32>
        %parallel_loop3A_107 = arith.mulf %parallel_loop3A_105, %get3A_7 : vector<16xf32>
        %parallel_loop3A_108 = arith.addf %parallel_loop3A_107, %parallel_loop3A_106 : vector<16xf32>
        %parallel_loop3A_109 = math.exp %parallel_loop3A_108 : vector<16xf32>
        %parallel_loop3A_110 = arith.mulf %parallel_loop3A_105, %get3A_11 : vector<16xf32>
        %parallel_loop3A_111 = arith.addf %parallel_loop3A_110, %parallel_loop3A_106 : vector<16xf32>
        %parallel_loop3A_112 = math.exp %parallel_loop3A_111 : vector<16xf32>
        tpu.vector_store_idx %arg7[%parallel_loop3A_101], %parallel_loop3A_109 {add = true} : memref<50016xf32, #tpu.memory_space<vmem>>[vector<16xi32>], vector<16xf32>,
        tpu.vector_store_idx %arg8[%parallel_loop3A_101], %parallel_loop3A_112 {add = true} : memref<50016xf32, #tpu.memory_space<vmem>>[vector<16xi32>], vector<16xf32>,
      } {sc.loop_unroll_factor = 8 : i64, sc.parallel_access}
      %add3A_71 = arith.constant 2 : i32
      %add3A_72 = arith.addi %mul3A_56, %add3A_71 : i32
      %lt3A = arith.constant 200 : i32
      %lt3A_73 = arith.cmpi slt, %add3A_72, %lt3A : i32
      %convert_element_type3A = arith.extui %lt3A_73 : i1 to i32
      %cond3A = arith.constant 0 : i32
      %cond3A_74 = arith.cmpi ne, %convert_element_type3A, %cond3A : i32
      scf.if %cond3A_74 {
        %add3A_97 = arith.constant 2 : i32
        %add3A_98 = arith.addi %mul3A_56, %add3A_97 : i32
        %add3A_99 = arith.addi %add3A_98, %mul3A_13 : i32
        %ge3A_100 = arith.constant 200 : i32
        %ge3A_101 = arith.cmpi sge, %add3A_99, %ge3A_100 : i32
        %sub3A_102 = arith.constant 200 : i32
        %sub3A_103 = arith.subi %add3A_99, %sub3A_102 : i32
        %select_n3A_104 = arith.select %ge3A_101, %sub3A_103, %add3A_99 : i32
        %mul3A_105 = arith.constant 4000 : i32
        %mul3A_106 = arith.muli %select_n3A_104, %mul3A_105 : i32
        %dma_start3A_107 = tpu.memref_slice %arg3[%mul3A_106] : memref<800000xi32, #tpu.memory_space<hbm>> -> memref<4000xi32, #tpu.memory_space<hbm>>
        %dma_start3A_108 = tpu.memref_slice %arg3[%mul3A_106] : memref<800000xi32, #tpu.memory_space<hbm>> -> memref<4000xi32, #tpu.memory_space<hbm>>
        tpu.enqueue_dma source(%dma_start3A_108 : memref<4000xi32, #tpu.memory_space<hbm>>) target(%arg10 : memref<4000xi32, #tpu.memory_space<vmem>>) target_semaphore(%arg16 : memref<!tpu.dma_semaphore, #tpu.memory_space<semaphore_mem>>)
        %dma_start3A_109 = tpu.memref_slice %arg4[%mul3A_106] : memref<800000xf32, #tpu.memory_space<hbm>> -> memref<4000xf32, #tpu.memory_space<hbm>>
        %dma_start3A_110 = tpu.memref_slice %arg4[%mul3A_106] : memref<800000xf32, #tpu.memory_space<hbm>> -> memref<4000xf32, #tpu.memory_space<hbm>>
        tpu.enqueue_dma source(%dma_start3A_110 : memref<4000xf32, #tpu.memory_space<hbm>>) target(%arg11 : memref<4000xf32, #tpu.memory_space<vmem>>) target_semaphore(%arg16 : memref<!tpu.dma_semaphore, #tpu.memory_space<semaphore_mem>>)
        %dma_start3A_111 = tpu.memref_slice %arg5[%mul3A_106] : memref<800000xf32, #tpu.memory_space<hbm>> -> memref<4000xf32, #tpu.memory_space<hbm>>
        %dma_start3A_112 = tpu.memref_slice %arg5[%mul3A_106] : memref<800000xf32, #tpu.memory_space<hbm>> -> memref<4000xf32, #tpu.memory_space<hbm>>
        tpu.enqueue_dma source(%dma_start3A_112 : memref<4000xf32, #tpu.memory_space<hbm>>) target(%arg12 : memref<4000xf32, #tpu.memory_space<vmem>>) target_semaphore(%arg16 : memref<!tpu.dma_semaphore, #tpu.memory_space<semaphore_mem>>)
      } else {
      }
      %dma_wait3A_75 = arith.constant 0 : i32
      %dma_wait3A_76 = tpu.memref_slice %arg3[%dma_wait3A_75] : memref<800000xi32, #tpu.memory_space<hbm>> -> memref<4000xi32, #tpu.memory_space<hbm>>
      %dma_wait3A_77 = arith.constant 0 : i32
      %dma_wait3A_78 = tpu.memref_slice %arg3[%dma_wait3A_77] : memref<800000xi32, #tpu.memory_space<hbm>> -> memref<4000xi32, #tpu.memory_space<hbm>>
      tpu.wait_dma2 semaphore(%arg17 : memref<!tpu.dma_semaphore, #tpu.memory_space<semaphore_mem>>) src(%dma_wait3A_78 : memref<4000xi32, #tpu.memory_space<hbm>>) dst(%arg13 : memref<4000xi32, #tpu.memory_space<vmem>>)
      %dma_wait3A_79 = arith.constant 0 : i32
      %dma_wait3A_80 = tpu.memref_slice %arg4[%dma_wait3A_79] : memref<800000xf32, #tpu.memory_space<hbm>> -> memref<4000xf32, #tpu.memory_space<hbm>>
      %dma_wait3A_81 = arith.constant 0 : i32
      %dma_wait3A_82 = tpu.memref_slice %arg4[%dma_wait3A_81] : memref<800000xf32, #tpu.memory_space<hbm>> -> memref<4000xf32, #tpu.memory_space<hbm>>
      tpu.wait_dma2 semaphore(%arg17 : memref<!tpu.dma_semaphore, #tpu.memory_space<semaphore_mem>>) src(%dma_wait3A_82 : memref<4000xf32, #tpu.memory_space<hbm>>) dst(%arg14 : memref<4000xf32, #tpu.memory_space<vmem>>)
      %dma_wait3A_83 = arith.constant 0 : i32
      %dma_wait3A_84 = tpu.memref_slice %arg5[%dma_wait3A_83] : memref<800000xf32, #tpu.memory_space<hbm>> -> memref<4000xf32, #tpu.memory_space<hbm>>
      %dma_wait3A_85 = arith.constant 0 : i32
      %dma_wait3A_86 = tpu.memref_slice %arg5[%dma_wait3A_85] : memref<800000xf32, #tpu.memory_space<hbm>> -> memref<4000xf32, #tpu.memory_space<hbm>>
      tpu.wait_dma2 semaphore(%arg17 : memref<!tpu.dma_semaphore, #tpu.memory_space<semaphore_mem>>) src(%dma_wait3A_86 : memref<4000xf32, #tpu.memory_space<hbm>>) dst(%arg15 : memref<4000xf32, #tpu.memory_space<vmem>>)
      %parallel_loop3A_87 = arith.constant 0 : i32
      %parallel_loop3A_88 = arith.constant 250 : i32
      %parallel_loop3A_89 = arith.constant 1 : i32
      scf.for %parallel_loop3A_97 = %parallel_loop3A_87 to %parallel_loop3A_88 step %parallel_loop3A_89  : i32 {
        %parallel_loop3A_98 = arith.constant 16 : i32
        %parallel_loop3A_99 = arith.muli %parallel_loop3A_97, %parallel_loop3A_98 : i32
        %parallel_loop3A_100 = arith.index_cast %parallel_loop3A_99 : i32 to index
        %parallel_loop3A_101 = tpu.vector_load %arg13[%parallel_loop3A_100] {strides = array<i32>} : memref<4000xi32, #tpu.memory_space<vmem>>, vector<16xi32>,
        %parallel_loop3A_102 = arith.index_cast %parallel_loop3A_99 : i32 to index
        %parallel_loop3A_103 = tpu.vector_load %arg14[%parallel_loop3A_102] {strides = array<i32>} : memref<4000xf32, #tpu.memory_space<vmem>>, vector<16xf32>,
        %parallel_loop3A_104 = arith.index_cast %parallel_loop3A_99 : i32 to index
        %parallel_loop3A_105 = tpu.vector_load %arg15[%parallel_loop3A_104] {strides = array<i32>} : memref<4000xf32, #tpu.memory_space<vmem>>, vector<16xf32>,
        %parallel_loop3A_106 = arith.mulf %parallel_loop3A_103, %get3A_3 : vector<16xf32>
        %parallel_loop3A_107 = arith.mulf %parallel_loop3A_105, %get3A_7 : vector<16xf32>
        %parallel_loop3A_108 = arith.addf %parallel_loop3A_107, %parallel_loop3A_106 : vector<16xf32>
        %parallel_loop3A_109 = math.exp %parallel_loop3A_108 : vector<16xf32>
        %parallel_loop3A_110 = arith.mulf %parallel_loop3A_105, %get3A_11 : vector<16xf32>
        %parallel_loop3A_111 = arith.addf %parallel_loop3A_110, %parallel_loop3A_106 : vector<16xf32>
        %parallel_loop3A_112 = math.exp %parallel_loop3A_111 : vector<16xf32>
        tpu.vector_store_idx %arg7[%parallel_loop3A_101], %parallel_loop3A_109 {add = true} : memref<50016xf32, #tpu.memory_space<vmem>>[vector<16xi32>], vector<16xf32>,
        tpu.vector_store_idx %arg8[%parallel_loop3A_101], %parallel_loop3A_112 {add = true} : memref<50016xf32, #tpu.memory_space<vmem>>[vector<16xi32>], vector<16xf32>,
      } {sc.loop_unroll_factor = 8 : i64, sc.parallel_access}
      %add3A_90 = arith.constant 3 : i32
      %add3A_91 = arith.addi %mul3A_56, %add3A_90 : i32
      %lt3A_92 = arith.constant 200 : i32
      %lt3A_93 = arith.cmpi slt, %add3A_91, %lt3A_92 : i32
      %convert_element_type3A_94 = arith.extui %lt3A_93 : i1 to i32
      %cond3A_95 = arith.constant 0 : i32
      %cond3A_96 = arith.cmpi ne, %convert_element_type3A_94, %cond3A_95 : i32
      scf.if %cond3A_96 {
        %add3A_97 = arith.constant 3 : i32
        %add3A_98 = arith.addi %mul3A_56, %add3A_97 : i32
        %add3A_99 = arith.addi %add3A_98, %mul3A_13 : i32
        %ge3A_100 = arith.constant 200 : i32
        %ge3A_101 = arith.cmpi sge, %add3A_99, %ge3A_100 : i32
        %sub3A_102 = arith.constant 200 : i32
        %sub3A_103 = arith.subi %add3A_99, %sub3A_102 : i32
        %select_n3A_104 = arith.select %ge3A_101, %sub3A_103, %add3A_99 : i32
        %mul3A_105 = arith.constant 4000 : i32
        %mul3A_106 = arith.muli %select_n3A_104, %mul3A_105 : i32
        %dma_start3A_107 = tpu.memref_slice %arg3[%mul3A_106] : memref<800000xi32, #tpu.memory_space<hbm>> -> memref<4000xi32, #tpu.memory_space<hbm>>
        %dma_start3A_108 = tpu.memref_slice %arg3[%mul3A_106] : memref<800000xi32, #tpu.memory_space<hbm>> -> memref<4000xi32, #tpu.memory_space<hbm>>
        tpu.enqueue_dma source(%dma_start3A_108 : memref<4000xi32, #tpu.memory_space<hbm>>) target(%arg13 : memref<4000xi32, #tpu.memory_space<vmem>>) target_semaphore(%arg17 : memref<!tpu.dma_semaphore, #tpu.memory_space<semaphore_mem>>)
        %dma_start3A_109 = tpu.memref_slice %arg4[%mul3A_106] : memref<800000xf32, #tpu.memory_space<hbm>> -> memref<4000xf32, #tpu.memory_space<hbm>>
        %dma_start3A_110 = tpu.memref_slice %arg4[%mul3A_106] : memref<800000xf32, #tpu.memory_space<hbm>> -> memref<4000xf32, #tpu.memory_space<hbm>>
        tpu.enqueue_dma source(%dma_start3A_110 : memref<4000xf32, #tpu.memory_space<hbm>>) target(%arg14 : memref<4000xf32, #tpu.memory_space<vmem>>) target_semaphore(%arg17 : memref<!tpu.dma_semaphore, #tpu.memory_space<semaphore_mem>>)
        %dma_start3A_111 = tpu.memref_slice %arg5[%mul3A_106] : memref<800000xf32, #tpu.memory_space<hbm>> -> memref<4000xf32, #tpu.memory_space<hbm>>
        %dma_start3A_112 = tpu.memref_slice %arg5[%mul3A_106] : memref<800000xf32, #tpu.memory_space<hbm>> -> memref<4000xf32, #tpu.memory_space<hbm>>
        tpu.enqueue_dma source(%dma_start3A_112 : memref<4000xf32, #tpu.memory_space<hbm>>) target(%arg15 : memref<4000xf32, #tpu.memory_space<vmem>>) target_semaphore(%arg17 : memref<!tpu.dma_semaphore, #tpu.memory_space<semaphore_mem>>)
      } else {
      }
    }
    %scan3A_47 = arith.constant 100 : i32
    %mul3A_48 = arith.constant 2 : i32
    %mul3A_49 = arith.muli %mul3A_48, %add3A : i32
    "tpu.region"() ({
      %run_scoped3A = tpu.sem_alloc : memref<!tpu.dma_semaphore, #tpu.memory_space<semaphore_mem>>
      %dma_start3A_54 = arith.constant 0 : i32
      %dma_start3A_55 = tpu.memref_slice %arg6[%mul3A_49, %dma_start3A_54] : memref<64x50016xf32, #tpu.memory_space<hbm>> -> memref<1x50016xf32, #tpu.memory_space<hbm>>
      %dma_start3A_56 = tpu.memref_squeeze %dma_start3A_55 : memref<1x50016xf32, #tpu.memory_space<hbm>> -> memref<50016xf32, #tpu.memory_space<hbm>>
      %dma_start3A_57 = arith.constant 0 : i32
      %dma_start3A_58 = tpu.memref_slice %arg6[%mul3A_49, %dma_start3A_57] : memref<64x50016xf32, #tpu.memory_space<hbm>> -> memref<1x50016xf32, #tpu.memory_space<hbm>>
      %dma_start3A_59 = tpu.memref_squeeze %dma_start3A_58 : memref<1x50016xf32, #tpu.memory_space<hbm>> -> memref<50016xf32, #tpu.memory_space<hbm>>
      tpu.enqueue_dma source(%arg7 : memref<50016xf32, #tpu.memory_space<vmem>>) target(%dma_start3A_59 : memref<50016xf32, #tpu.memory_space<hbm>>) target_semaphore(%run_scoped3A : memref<!tpu.dma_semaphore, #tpu.memory_space<semaphore_mem>>)
      %dma_wait3A = arith.constant 0 : i32
      %dma_wait3A_60 = tpu.memref_slice %arg6[%mul3A_49, %dma_wait3A] : memref<64x50016xf32, #tpu.memory_space<hbm>> -> memref<1x50016xf32, #tpu.memory_space<hbm>>
      %dma_wait3A_61 = tpu.memref_squeeze %dma_wait3A_60 : memref<1x50016xf32, #tpu.memory_space<hbm>> -> memref<50016xf32, #tpu.memory_space<hbm>>
      %dma_wait3A_62 = arith.constant 0 : i32
      %dma_wait3A_63 = tpu.memref_slice %arg6[%mul3A_49, %dma_wait3A_62] : memref<64x50016xf32, #tpu.memory_space<hbm>> -> memref<1x50016xf32, #tpu.memory_space<hbm>>
      %dma_wait3A_64 = tpu.memref_squeeze %dma_wait3A_63 : memref<1x50016xf32, #tpu.memory_space<hbm>> -> memref<50016xf32, #tpu.memory_space<hbm>>
      tpu.wait_dma2 semaphore(%run_scoped3A : memref<!tpu.dma_semaphore, #tpu.memory_space<semaphore_mem>>) src(%arg7 : memref<50016xf32, #tpu.memory_space<vmem>>) dst(%dma_wait3A_64 : memref<50016xf32, #tpu.memory_space<hbm>>)
      tpu.yield
    }) : () -> ()
    %mul3A_50 = arith.constant 2 : i32
    %mul3A_51 = arith.muli %mul3A_50, %add3A : i32
    %add3A_52 = arith.constant 1 : i32
    %add3A_53 = arith.addi %mul3A_51, %add3A_52 : i32
    "tpu.region"() ({
      %run_scoped3A = tpu.sem_alloc : memref<!tpu.dma_semaphore, #tpu.memory_space<semaphore_mem>>
      %dma_start3A_54 = arith.constant 0 : i32
      %dma_start3A_55 = tpu.memref_slice %arg6[%add3A_53, %dma_start3A_54] : memref<64x50016xf32, #tpu.memory_space<hbm>> -> memref<1x50016xf32, #tpu.memory_space<hbm>>
      %dma_start3A_56 = tpu.memref_squeeze %dma_start3A_55 : memref<1x50016xf32, #tpu.memory_space<hbm>> -> memref<50016xf32, #tpu.memory_space<hbm>>
      %dma_start3A_57 = arith.constant 0 : i32
      %dma_start3A_58 = tpu.memref_slice %arg6[%add3A_53, %dma_start3A_57] : memref<64x50016xf32, #tpu.memory_space<hbm>> -> memref<1x50016xf32, #tpu.memory_space<hbm>>
      %dma_start3A_59 = tpu.memref_squeeze %dma_start3A_58 : memref<1x50016xf32, #tpu.memory_space<hbm>> -> memref<50016xf32, #tpu.memory_space<hbm>>
      tpu.enqueue_dma source(%arg8 : memref<50016xf32, #tpu.memory_space<vmem>>) target(%dma_start3A_59 : memref<50016xf32, #tpu.memory_space<hbm>>) target_semaphore(%run_scoped3A : memref<!tpu.dma_semaphore, #tpu.memory_space<semaphore_mem>>)
      %dma_wait3A = arith.constant 0 : i32
      %dma_wait3A_60 = tpu.memref_slice %arg6[%add3A_53, %dma_wait3A] : memref<64x50016xf32, #tpu.memory_space<hbm>> -> memref<1x50016xf32, #tpu.memory_space<hbm>>
      %dma_wait3A_61 = tpu.memref_squeeze %dma_wait3A_60 : memref<1x50016xf32, #tpu.memory_space<hbm>> -> memref<50016xf32, #tpu.memory_space<hbm>>
      %dma_wait3A_62 = arith.constant 0 : i32
      %dma_wait3A_63 = tpu.memref_slice %arg6[%add3A_53, %dma_wait3A_62] : memref<64x50016xf32, #tpu.memory_space<hbm>> -> memref<1x50016xf32, #tpu.memory_space<hbm>>
      %dma_wait3A_64 = tpu.memref_squeeze %dma_wait3A_63 : memref<1x50016xf32, #tpu.memory_space<hbm>> -> memref<50016xf32, #tpu.memory_space<hbm>>
      tpu.wait_dma2 semaphore(%run_scoped3A : memref<!tpu.dma_semaphore, #tpu.memory_space<semaphore_mem>>) src(%arg8 : memref<50016xf32, #tpu.memory_space<vmem>>) dst(%dma_wait3A_64 : memref<50016xf32, #tpu.memory_space<hbm>>)
      tpu.yield
    }) : () -> ()
    return
  }
}

module attributes {stable_mosaic.version = 14 : i64} {
  func.func @_log_body(%arg0: i32, %arg1: memref<50x16000xf32, #tpu.memory_space<vmem>>, %arg2: memref<50x16000xf32, #tpu.memory_space<vmem>>, %arg3: memref<50x16000xf32, #tpu.memory_space<vmem>>, %arg4: memref<50x16000xf32, #tpu.memory_space<vmem>>, %arg5: memref<50x16000xf32, #tpu.memory_space<vmem>>) attributes {dimension_semantics = [#tpu.dimension_semantics<arbitrary>], iteration_bounds = array<i64: 1>, scalar_prefetch = 0 : i64, scratch_operands = 0 : i64, tpu.core_type = #tpu.core_type<tc>, window_params = [{pipeline_mode = #tpu.pipeline_mode<synchronous>, transform_indices = @transform_0, window_bounds = array<i64: 50, 16000>}, {pipeline_mode = #tpu.pipeline_mode<synchronous>, transform_indices = @transform_1, window_bounds = array<i64: 50, 16000>}, {pipeline_mode = #tpu.pipeline_mode<synchronous>, transform_indices = @transform_2, window_bounds = array<i64: 50, 16000>}, {pipeline_mode = #tpu.pipeline_mode<synchronous>, transform_indices = @transform_3, window_bounds = array<i64: 50, 16000>}, {pipeline_mode = #tpu.pipeline_mode<synchronous>, transform_indices = @transform_4, window_bounds = array<i64: 50, 16000>}]} {
    %get3A = arith.constant 0 : index
    %get3A_0 = arith.constant 0 : index
    %get3A_1 = vector.load %arg3[%get3A, %get3A_0] : memref<50x16000xf32, #tpu.memory_space<vmem>>, vector<50x16000xf32>
    %div3A = arith.constant 5.000000e+00 : f32
    %div3A_2 = vector.broadcast %div3A : f32 to vector<50x16000xf32>
    %div3A_3 = arith.divf %get3A_1, %div3A_2 : vector<50x16000xf32>
    %sub3A = arith.constant 1.000000e+00 : f32
    %sub3A_4 = vector.broadcast %sub3A : f32 to vector<50x16000xf32>
    %sub3A_5 = arith.subf %sub3A_4, %div3A_3 : vector<50x16000xf32>
    %mul3A = arith.constant 2.000000e+00 : f32
    %mul3A_6 = vector.broadcast %mul3A : f32 to vector<50x16000xf32>
    %mul3A_7 = arith.mulf %mul3A_6, %sub3A_5 : vector<50x16000xf32>
    %max3A = arith.constant 0.000000e+00 : f32
    %max3A_8 = vector.broadcast %max3A : f32 to vector<50x16000xf32>
    %max3A_9 = arith.maximumf %mul3A_7, %max3A_8 : vector<50x16000xf32>
    %get3A_10 = arith.constant 0 : index
    %get3A_11 = arith.constant 0 : index
    %get3A_12 = vector.load %arg1[%get3A_10, %get3A_11] : memref<50x16000xf32, #tpu.memory_space<vmem>>, vector<50x16000xf32>
    %div3A_13 = arith.constant 5.000000e+00 : f32
    %div3A_14 = vector.broadcast %div3A_13 : f32 to vector<50x16000xf32>
    %div3A_15 = arith.divf %get3A_12, %div3A_14 : vector<50x16000xf32>
    %sub3A_16 = arith.constant 1.000000e+00 : f32
    %sub3A_17 = vector.broadcast %sub3A_16 : f32 to vector<50x16000xf32>
    %sub3A_18 = arith.subf %sub3A_17, %div3A_15 : vector<50x16000xf32>
    %mul3A_19 = arith.constant 2.000000e+00 : f32
    %mul3A_20 = vector.broadcast %mul3A_19 : f32 to vector<50x16000xf32>
    %mul3A_21 = arith.mulf %mul3A_20, %sub3A_18 : vector<50x16000xf32>
    %max3A_22 = arith.constant 0.000000e+00 : f32
    %max3A_23 = vector.broadcast %max3A_22 : f32 to vector<50x16000xf32>
    %max3A_24 = arith.maximumf %mul3A_21, %max3A_23 : vector<50x16000xf32>
    %get3A_25 = arith.constant 0 : index
    %get3A_26 = arith.constant 0 : index
    %get3A_27 = vector.load %arg2[%get3A_25, %get3A_26] : memref<50x16000xf32, #tpu.memory_space<vmem>>, vector<50x16000xf32>
    %div3A_28 = arith.constant 5.000000e+00 : f32
    %div3A_29 = vector.broadcast %div3A_28 : f32 to vector<50x16000xf32>
    %div3A_30 = arith.divf %get3A_27, %div3A_29 : vector<50x16000xf32>
    %sub3A_31 = arith.constant 1.000000e+00 : f32
    %sub3A_32 = vector.broadcast %sub3A_31 : f32 to vector<50x16000xf32>
    %sub3A_33 = arith.subf %sub3A_32, %div3A_30 : vector<50x16000xf32>
    %mul3A_34 = arith.constant 2.000000e+00 : f32
    %mul3A_35 = vector.broadcast %mul3A_34 : f32 to vector<50x16000xf32>
    %mul3A_36 = arith.mulf %mul3A_35, %sub3A_33 : vector<50x16000xf32>
    %max3A_37 = arith.constant 0.000000e+00 : f32
    %max3A_38 = vector.broadcast %max3A_37 : f32 to vector<50x16000xf32>
    %max3A_39 = arith.maximumf %mul3A_36, %max3A_38 : vector<50x16000xf32>
    %mul3A_40 = arith.mulf %max3A_24, %max3A_39 : vector<50x16000xf32>
    %log3A = math.log %max3A_9 : vector<50x16000xf32>
    %max3A_41 = arith.constant -6.000000e+01 : f32
    %max3A_42 = vector.broadcast %max3A_41 : f32 to vector<50x16000xf32>
    %max3A_43 = arith.maximumf %log3A, %max3A_42 : vector<50x16000xf32>
    %swap3A = arith.constant 0 : index
    %swap3A_44 = arith.constant 0 : index
    %swap3A_45 = vector.load %arg4[%swap3A, %swap3A_44] : memref<50x16000xf32, #tpu.memory_space<vmem>>, vector<50x16000xf32>
    tpu.vector_store %arg4[%swap3A, %swap3A_44], %max3A_43 {strides = array<i32>} : memref<50x16000xf32, #tpu.memory_space<vmem>>, vector<50x16000xf32>,
    %log3A_46 = math.log %mul3A_40 : vector<50x16000xf32>
    %max3A_47 = arith.constant -6.000000e+01 : f32
    %max3A_48 = vector.broadcast %max3A_47 : f32 to vector<50x16000xf32>
    %max3A_49 = arith.maximumf %log3A_46, %max3A_48 : vector<50x16000xf32>
    %swap3A_50 = arith.constant 0 : index
    %swap3A_51 = arith.constant 0 : index
    %swap3A_52 = vector.load %arg5[%swap3A_50, %swap3A_51] : memref<50x16000xf32, #tpu.memory_space<vmem>>, vector<50x16000xf32>
    tpu.vector_store %arg5[%swap3A_50, %swap3A_51], %max3A_49 {strides = array<i32>} : memref<50x16000xf32, #tpu.memory_space<vmem>>, vector<50x16000xf32>,
    return
  }
  func.func @transform_0(%arg0: i32) -> (i32, i32) {
    %c0_i32 = arith.constant 0 : i32
    %c0_i32_0 = arith.constant 0 : i32
    %c0_i32_1 = arith.constant 0 : i32
    return %c0_i32, %c0_i32_0 : i32, i32
  }
  func.func @transform_1(%arg0: i32) -> (i32, i32) {
    %c0_i32 = arith.constant 0 : i32
    %c0_i32_0 = arith.constant 0 : i32
    %c0_i32_1 = arith.constant 0 : i32
    return %c0_i32, %c0_i32_0 : i32, i32
  }
  func.func @transform_2(%arg0: i32) -> (i32, i32) {
    %c0_i32 = arith.constant 0 : i32
    %c0_i32_0 = arith.constant 0 : i32
    %c0_i32_1 = arith.constant 0 : i32
    return %c0_i32, %c0_i32_0 : i32, i32
  }
  func.func @transform_3(%arg0: i32) -> (i32, i32) {
    %c0_i32 = arith.constant 0 : i32
    %c0_i32_0 = arith.constant 0 : i32
    %c0_i32_1 = arith.constant 0 : i32
    return %c0_i32, %c0_i32_0 : i32, i32
  }
  func.func @transform_4(%arg0: i32) -> (i32, i32) {
    %c0_i32 = arith.constant 0 : i32
    %c0_i32_0 = arith.constant 0 : i32
    %c0_i32_1 = arith.constant 0 : i32
    return %c0_i32, %c0_i32_0 : i32, i32
  }
}

module attributes {stable_mosaic.version = 14 : i64} {
  func.func @_tr_body(%arg0: i32, %arg1: memref<64x2048xf32, #tpu.memory_space<vmem>>, %arg2: memref<2048x64xf32, #tpu.memory_space<vmem>>) attributes {dimension_semantics = [#tpu.dimension_semantics<arbitrary>], iteration_bounds = array<i64: 25>, scalar_prefetch = 0 : i64, scratch_operands = 0 : i64, tpu.core_type = #tpu.core_type<tc>, window_params = [{transform_indices = @transform_0, window_bounds = array<i64: 64, 2048>}, {transform_indices = @transform_1, window_bounds = array<i64: 2048, 64>}]} {
    %get3A = arith.constant 0 : index
    %get3A_0 = arith.constant 0 : index
    %get3A_1 = vector.load %arg1[%get3A, %get3A_0] : memref<64x2048xf32, #tpu.memory_space<vmem>>, vector<64x2048xf32>
    %transpose3A = tpu.transpose %get3A_1, [1, 0] : vector<64x2048xf32> -> vector<2048x64xf32>
    %swap3A = arith.constant 0 : index
    %swap3A_2 = arith.constant 0 : index
    %swap3A_3 = vector.load %arg2[%swap3A, %swap3A_2] : memref<2048x64xf32, #tpu.memory_space<vmem>>, vector<2048x64xf32>
    tpu.vector_store %arg2[%swap3A, %swap3A_2], %transpose3A {strides = array<i32>} : memref<2048x64xf32, #tpu.memory_space<vmem>>, vector<2048x64xf32>,
    return
  }
  func.func @transform_0(%arg0: i32) -> (i32, i32) {
    %c0_i32 = arith.constant 0 : i32
    %c0_i32_0 = arith.constant 0 : i32
    return %c0_i32, %arg0 : i32, i32
  }
  func.func @transform_1(%arg0: i32) -> (i32, i32) {
    %c0_i32 = arith.constant 0 : i32
    %c0_i32_0 = arith.constant 0 : i32
    return %arg0, %c0_i32 : i32, i32
  }
}

</mosaic_0001>

<sc_bundles>
// kernel: kernel.6.cloned.1.call-start
scs
__scs_entry_jumppad:
0x0: {  	(pc) =	sbr.rel $0x88, $3  }
0x1: {  	(tag) =	ssettag $0x0;
	lr =	simm.s32 $0x1  }
0x2: {  	[smem:$0x3F9A] =	sst lr;
	_ =	strace $0xD0000000  }
0x3: {  	_ = 	snop  }
0x4: {  	_ = 	snop  }
0x5: {  	_ = 	snop  }
0x6: {  	_ = 	snop  }
0x7: {  	_ = 	snop  }
__scs_overlays_trampoline_lowered:
0x8: {  	[smem:$0x3FA9] =	sst s0  }
0x9: {  	[smem:$0x3FAA] =	sst s1  }
0xa: {  	[smem:$0x3FAB] =	sst s2  }
0xb: {  	[smem:$0x3FAC] =	sst s3  }
0xc: {  	[smem:$0x3FAD] =	sst s4  }
0xd: {  	[smem:$0x3FAE] =	sst s5  }
0xe: {  	[smem:$0x3FAF] =	sst s6  }
0xf: {  	[smem:$0x3FB0] =	sst s7  }
0x10: {  	[smem:$0x3FB1] =	sst s8  }
0x11: {  	[smem:$0x3FB2] =	sst s9;
	s0 =	simm.s32 @!p0 $0x0  }
0x12: {  	s1 =	sld [smem:$0x3F98];
	s0 =	simm.s32 @p0 $0x1  }
0x13: {  	[smem:$0x3FB3] =	sst s0;
	s0 =	simm.s32 @!p1 $0x0  }
0x14: {  	s2 =	sld [smem:$0x3F97];
	s0 =	simm.s32 @p1 $0x1  }
0x15: {  	[smem:$0x3FB4] =	sst s0;
	s0 =	simm.s32 @!p2 $0x0  }
0x16: {  	s3 =	sld [smem:$0x3FDB];
	s0 =	simm.s32 @p2 $0x1  }
0x17: {  	s4 =	simm.s32 $0x1BF5;
	[smem:$0x3FB6] =	sst s0  }
0x18: {  	s0 =	sld [smem:$0x3F99];
	_ =	swait.ge [sflag:s4], $0x0  }
0x19: {  	s7 =	sld [smem:$0x3F9A]  }
0x1a: {  	s8 =	sadd.s32 $0xFFFFE003, lr  }
0x1b: {  	s9 =	sadd.s32 $0xFFFFFEF7, lr;
	s5 =	simm.s32 $0xFFFFFFFF;
	p2 =	slt.u32 s8, $0xFFFFF086  }
0x1c: {  	p1 =	slt.u32 s9, $0xF7A;
	s5 =	simm.s32 @!p2 $0x0  }
0x1d: {  	s5 =	simm.s32 @p1 $0x1;
	p0 =	seq.s32 s7, s2  }
0x1e: {  	s7 =	smul.u32 @!p0 $0xF7A, s2;
	p2 =	seq.s32 @!p0 s5, $0x0  }
0x1f: {  	s9 =	smul.u32 $0xF7A, s1;
	s8 =	simm.s32 @!p0 $0x1BF5;
	p2 =	por !p2, p0  }
0x20: {  	[sflag:s8] =	ssyncset.s32 @!p0 $0xFFFFF086;
	s6 =	sadd.s32 @!p0 s3, s7;
	s7 =	simm.s32 @!p0 $0x108  }
0x21: {  	s3 =	sadd.s32 s3, s9;
	s6 =	sadd.s32 @!p0 $0x88, s6;
	s7 =	simm.s32 @p2 $0x1082  }
0x22: {  	[simem:s7], [sflag:s8] =	dma.local @!p0 [hbm:s6], $0xF7A  }
0x23: {  	s9 =	sor.u32 $0xD0000000, s2;
	s6 =	simm.s32 $0x108;
	_ =	swait.ge @!p0 [sflag:s8], $0x0  }
0x24: {  	s3 =	sadd.s32 $0x88, s3;
	s6 =	simm.s32 @!p1 $0x1082;
	[sflag:s4] =	ssyncset.s32 $0xFFFFF086  }
0x25: {  	[simem:s6], [sflag:s4] =	dma.local [hbm:s3], $0xF7A  }
0x26: {  	[smem:$0x3F9A] =	sst s1;
	(tag) =	ssettag s2;
	_ =	strace s9  }
0x27: {  	s1 =	sld [smem:$0x3FAA]  }
0x28: {  	s2 =	sld [smem:$0x3FAB]  }
0x29: {  	s4 =	sld [smem:$0x3FAD]  }
0x2a: {  	p0 =	seq.s32 s5, $0x0;
	s5 =	sld [smem:$0x3FAE]  }
0x2b: {  	s6 =	sld [smem:$0x3FAF]  }
0x2c: {  	s7 =	sld [smem:$0x3FB0]  }
0x2d: {  	s3 =	simm.s32 $0x108;
	s8 =	sld [smem:$0x3FB1]  }
0x2e: {  	s3 =	simm.s32 @!p0 $0x1082;
	s9 =	sld [smem:$0x3FB2]  }
0x2f: {  	lr =	sadd.s32 s0, s3;
	s0 =	sld [smem:$0x3FA9]  }
0x30: {  	s3 =	sld [smem:$0x3FAC]  }
0x31: {  	[smem:$0x3FB5] =	sst s10  }
0x32: {  	s10 =	sld [smem:$0x3FB3];
	_ =	sdelay $0x3  }
0x33: {  	p0 =	seq.s32 s10, $0x1;
	s10 =	sld [smem:$0x3FB5];
	_ =	sdelay $0x3  }
0x34: {  	[smem:$0x3FB5] =	sst s10  }
0x35: {  	s10 =	sld [smem:$0x3FB4];
	_ =	sdelay $0x3  }
0x36: {  	p1 =	seq.s32 s10, $0x1;
	s10 =	sld [smem:$0x3FB5];
	_ =	sdelay $0x3  }
0x37: {  	[smem:$0x3FB5] =	sst s10  }
0x38: {  	s10 =	sld [smem:$0x3FB6]  }
0x39: {  	_ = 	snop;
	(pc) =	sbr.ind lr, $3  }
0x3a: {  	_ = 	snop  }
0x3b: {  	_ = 	snop  }
0x3c: {  	p2 =	seq.s32 s10, $0x1;
	s10 =	sld [smem:$0x3FB5]  }
0x3d: {  	_ =	shalt  }
0x3e: {  	_ =	shalt  }
0x3f: {  	_ =	shalt  }
0x40: {  	_ =	shalt  }
0x41: {  	_ =	shalt  }
0x42: {  	_ =	shalt  }
0x43: {  	_ =	shalt  }
0x44: {  	_ =	shalt  }
0x45: {  	_ =	shalt  }
0x46: {  	_ =	shalt  }
0x47: {  	_ =	shalt  }
0x48: {  	_ =	shalt  }
0x49: {  	_ =	shalt  }
0x4a: {  	_ =	shalt  }
0x4b: {  	_ =	shalt  }
0x4c: {  	_ =	shalt  }
0x4d: {  	_ =	shalt  }
0x4e: {  	_ =	shalt  }
0x4f: {  	_ =	shalt  }
0x50: {  	_ =	shalt  }
0x51: {  	_ =	shalt  }
0x52: {  	_ =	shalt  }
0x53: {  	_ =	shalt  }
0x54: {  	_ =	shalt  }
0x55: {  	_ =	shalt  }
0x56: {  	_ =	shalt  }
0x57: {  	_ =	shalt  }
0x58: {  	_ =	shalt  }
0x59: {  	_ =	shalt  }
0x5a: {  	_ =	shalt  }
0x5b: {  	_ =	shalt  }
0x5c: {  	_ =	shalt  }
0x5d: {  	_ =	shalt  }
0x5e: {  	_ =	shalt  }
0x5f: {  	_ =	shalt  }
0x60: {  	_ =	shalt  }
0x61: {  	_ =	shalt  }
0x62: {  	_ =	shalt  }
0x63: {  	_ =	shalt  }
0x64: {  	_ =	shalt  }
0x65: {  	_ =	shalt  }
0x66: {  	_ =	shalt  }
0x67: {  	_ =	shalt  }
0x68: {  	_ =	shalt  }
0x69: {  	_ =	shalt  }
0x6a: {  	_ =	shalt  }
0x6b: {  	_ =	shalt  }
0x6c: {  	_ =	shalt  }
0x6d: {  	_ =	shalt  }
0x6e: {  	_ =	shalt  }
0x6f: {  	_ =	shalt  }
0x70: {  	_ =	shalt  }
0x71: {  	_ =	shalt  }
0x72: {  	_ =	shalt  }
0x73: {  	_ =	shalt  }
0x74: {  	_ =	shalt  }
0x75: {  	_ =	shalt  }
0x76: {  	_ =	shalt  }
0x77: {  	_ =	shalt  }
0x78: {  	_ =	shalt  }
0x79: {  	_ =	shalt  }
0x7a: {  	_ =	shalt  }
0x7b: {  	_ =	shalt  }
0x7c: {  	_ =	shalt  }
0x7d: {  	_ =	shalt  }
0x7e: {  	_ =	shalt  }
0x7f: {  	_ =	shalt  }
0x80: {  	_ =	shalt  }
0x81: {  	_ =	shalt  }
0x82: {  	_ =	shalt  }
0x83: {  	_ =	shalt  }
0x84: {  	_ =	shalt  }
0x85: {  	_ =	shalt  }
0x86: {  	_ =	shalt  }
0x87: {  	_ =	shalt  }
.Lfunc_end0:
.L_simem_size_0:
called_computation_lowered:
.L_overlay_start_0:
0x88: {  	s2 =	sld [smem:$0x3FD9]  }
0x89: {  	s3 =	sld [smem:$0x3FFE];
	_ =	sdelay $0x1  }
0x8a: {  	s1 =	srdreg.scid  }
0x8b: {  	s0 =	sand.u32 $0x1, s1  }
0x8c: {  	s17 =	sshll.u32 s0, $0xA;
	s2 =	sadd.s32 s3, s2  }
0x8d: {  	s2 =	sadd.s32 s2, s17  }
0x8e: {  	[smem:$0x3FC1] =	sst s2  }
0x8f: {  	_ = 	snop  }
0x90: {  	s2 =	sld [smem:$0x3FC9]  }
0x91: {  	s18 =	sld [smem:$0x3FC8]  }
0x92: {  	s4 =	sld [smem:$0x3FC7]  }
0x93: {  	s5 =	sld [smem:$0x3FC3];
	(tm) =	ssettm $0x1  }
0x94: {  	s6 =	sld [smem:$0x3FFB];
	_ =	sdelay $0x3  }
0x95: {  	_ =	strace s6  }
0x96: {  	s6 =	sld [smem:$0x3FFC];
	_ =	sdelay $0x3  }
0x97: {  	_ =	strace s6  }
0x98: {  	s6 =	sld [smem:$0x3FFD];
	_ =	sdelay $0x3  }
0x99: {  	_ =	strace s6  }
0x9a: {  	_ =	strace $0x8FFFFFFF  }
0x9b: {  	s19 =	sld [smem:$0x3FDB];
	_ =	sdelay $0x1  }
0x9c: {  	s7 =	simm.s32 $_scs_section_size  }
0x9d: {  	s8 =	simm.s32 $_size__tile_overlayer_lowered;
	s9 =	simm.s32 $_tile_overlayer_lowered  }
0x9e: {  	s22 =	simm.s32 $0x1BFF;
	s21 =	sshll.u32 s9, $0x1;
	s6 =	sadd.s32 s7, s19  }
0x9f: {  	s10 =	simm.s32 $0x0;
	s20 =	sshll.u32 s8, $0x1;
	s8 =	sadd.s32 s21, s6  }
0xa0: {  	[timem:s10], [sflag:s22] =	dma.local [hbm:s8], s20  }
0xa1: {  	_ =	swait.ge [sflag:s22], s20  }
0xa2: {  	s7 =	ssub.s32 $0x0, s20;
	[sflag:s22] =	ssyncset.done $0x0  }
0xa3: {  	[sflag:s22] =	ssyncadd.s32 s7;
	_ =	sdelay $0x1  }
0xa4: {  	s23 =	simm.s32 $0x1B8B  }
0xa5: {  	_ =	swait.ge [sflag:s23], $0x1  }
0xa6: {  	[sflag:s23] =	ssyncset.done $0x0  }
0xa7: {  	s25 =	simm.s32 $0x1B8E;
	s24 =	sld [smem:$0x3FFE];
	[sflag:s23] =	ssyncadd.s32 $0xFFFFFFFF  }
0xa8: {  	s26 =	simm.s32 $execute0_lowered;
	[smem:$0x3FD2] =	sst s25  }
0xa9: {  	s8 =	sshll.u32 s26, $0x1;
	_ =	strace $0x80000046;
	[dreg:$0x1] =	wrdreg $0xFFFFFFFF  }
0xaa: {  	s28 =	simm.s32 $_size_execute0_lowered;
	s6 =	sadd.s32 s6, s8;
	[dreg:$0x0] =	wrdreg $0x0  }
0xab: {  	s8 =	sshll.u32 s28, $0x1;
	[dreg:$0x2] =	wrdreg s6  }
0xac: {  	[dreg:$0x3] =	wrdreg s8  }
0xad: {  	[dreg:$0x4] =	wrdreg $0xC0  }
0xae: {  	_ =	task [dreg:s10], $0x5FFFF  }
0xaf: {  	[dreg:$0x1] =	wrdreg $0xFFFFFFFF  }
0xb0: {  	[dreg:$0x0] =	wrdreg $0x60  }
0xb1: {  	[dreg:$0x2] =	wrdreg s2  }
0xb2: {  	[dreg:$0x3] =	wrdreg s18  }
0xb3: {  	[dreg:$0x4] =	wrdreg s4  }
0xb4: {  	[dreg:$0x5] =	wrdreg s5  }
0xb5: {  	[dreg:$0x6] =	wrdreg s24  }
0xb6: {  	[dreg:$0x7] =	wrdreg $0x9  }
0xb7: {  	_ =	task.clear_ibuf [dreg:s10], $0x8FFFF;
	_ =	strace $0x90000046  }
0xb8: {  	s29 =	simm.s32 $0x9;
	_ =	strace $0x80000048  }
0xb9: {  	_ =	swait.ge [sflag:s29], $0x1  }
0xba: {  	[sflag:s29] =	ssyncadd.s32 $0xFFFFFFFF  }
0xbb: {  	_ =	strace $0x90000048  }
0xbc: {  	_ =	sfence  }
0xbd: {  	s30 =	sld [smem:$0x0];
	_ =	sdelay $0x2  }
0xbe: {  	s31 =	sshll.u32 s1, $0xD;
	s1 =	sshrl.u32 s1, $0x2  }
0xbf: {  	s3 =	sand.u32 $0x4000, s31;
	s1 =	sadd.s32 s1, s30  }
0xc0: {  	s0 =	sor.u32 s3, s0;
	s1 =	sshll.u32 s1, $0x11  }
0xc1: {  	s0 =	sor.u32 s1, s0  }
0xc2: {  	s0 =	sadd.s32 $0x8F2B, s0  }
0xc3: {  	[sflag:s0] =	ssyncadd.remote.s32 $0x1  }
0xc4: {  	_ =	sfence.sel $0xFFFF  }
0xc5: {  	[dreg:$0x0] =	wrdreg $0xFFFFFFFF;
	(pc) =	sbr.abs _section_cstart, $3  }
0xc6: {  	[dreg:$0x1] =	wrdreg $0xFFFFFFFF  }
0xc7: {  	_ =	task.clear_ibuf [dreg:s10], $0x2FFFF;
	_ =	strace $0x9FFFFFFF  }
0xc8: {  	(tm) =	ssettm $0x7FFFFFFF  }
0xc9: {  	_ =	shalt  }
tec
execute0_lowered:
.L_overlay_start_1:
0x0: {  	(tag) =	ssettag $0x1  }
0x1: {  	s0 =	rddreg [dreg:$0x0]  }
0x2: {  	s2 =	rddreg [dreg:$0x1]  }
0x3: {  	s3 =	rddreg [dreg:$0x2]  }
0x4: {  	s1 =	srdreg.scid;
	s5 =	stileid.u32  }
0x5: {  	s4 =	rddreg [dreg:$0x4];
	s6 =	simm.s32 $0x0;
	s19 =	simm.s32 $0x4  }
0x6: {  	s28 =	simm.s32 $0xDB80;
	s1 =	sand.u32 $0x1, s1;
	s5 =	sshll.u32 s5, $0x1  }
0x7: {  	s29 =	simm.s32 $0x2;
	s30 =	simm.s32 $0xFB80;
	s5 =	sor.u32 s1, s5  }
0x8: {  	s31 =	simm.s32 $0x3;
	s1 =	ssub.s32 $0x2, s1;
	s8 =	smul.u32 $0x7000, s5  }
0x9: {  	[smem:$0x7FF] =	sst s6;
	s7 =	sadd.s32 $0x1400, s4;
	s9 =	sshrl.u32 s1, $0x1  }
0xa: {  	_ =	strace $0x80000047;
	s1 =	ssub.s32 s1, s9;
	s25 =	smin.u32 s8, $0xC2D00  }
0xb: {  	s10 =	sor.u32 $0x800, s8;
	s18 =	smax.u32 s1, $0x1;
	s4 =	sshrl.u32 s25, $0x3  }
0xc: {  	s11 =	smin.u32 s10, $0xC2D00;
	s10 =	smul.u32 $0xE, s5;
	s25 =	simm.s32 $0xF380  }
0xd: {  	s8 =	sadd.s32 s0, s4;
	s9 =	sadd.s32 s2, s4;
	s26 =	sshrl.u32 s11, $0x3  }
0xe: {  	s11 =	sadd.s32 s3, s4;
	s4 =	simm.s32 $0x0;
	s12 =	sadd.s32 s0, s26  }
0xf: {  	s13 =	sadd.s32 s2, s26;
	s14 =	sadd.s32 s3, s26;
	s15 =	sadd.s32 $0x2, s10  }
0x10: {  	s16 =	sor.u32 $0x1, s10;
	s17 =	sadd.s32 $0x3, s10;
	s26 =	simm.s32 $0x1  }
.LBB2_1:
0x11: {  	s1 =	rddreg [dreg:$0x3]  }
0x12: {  	[tilespmem:s6], [sflag:$0x4] =	stream.linear.gather [hbm4b:s1+s6], $0xC380, $0x38;
	[tilespmem:$0x10380] =	vst v63  }
0x13: {  	_ =	swait.ge [sflag:s19], $0xC380  }
0x14: {  	[sflag:s19] =	ssyncset.done $0x0  }
0x15: {  	s20 =	simm.s32 $0xC380;
	[sflag:s19] =	ssyncadd.s32 $0xFFFF3C80  }
0x16: {  	[tilespmem:s20], [sflag:$0x1] =	stream.linear.gather [hbm4b:s8+s6], $0x800, $0x38;
	[tilespmem:$0x10380] =	vst v63  }
0x17: {  	s21 =	simm.s32 $0xCB80  }
0x18: {  	[tilespmem:s21], [sflag:$0x1] =	stream.linear.gather [hbm4b:s9+s6], $0x800, $0x38;
	[tilespmem:$0x10380] =	vst v63  }
0x19: {  	s22 =	simm.s32 $0xD380  }
0x1a: {  	[tilespmem:s22], [sflag:$0x1] =	stream.linear.gather [hbm4b:s11+s6], $0x800, $0x38;
	[tilespmem:$0x10380] =	vst v63  }
0x1b: {  	s23 =	simm.s32 $0xE380  }
0x1c: {  	[tilespmem:s23], [sflag:$0x2] =	stream.linear.gather [hbm4b:s12+s6], $0x800, $0x38;
	[tilespmem:$0x10380] =	vst v63  }
0x1d: {  	s24 =	simm.s32 $0xEB80  }
0x1e: {  	[tilespmem:s24], [sflag:$0x2] =	stream.linear.gather [hbm4b:s13+s6], $0x800, $0x38;
	[tilespmem:$0x10380] =	vst v63  }
0x1f: {  	s1 =	simm.s32 $0x0  }
0x20: {  	[tilespmem:s25], [sflag:$0x2] =	stream.linear.gather [hbm4b:s14+s6], $0x800, $0x38;
	[tilespmem:$0x10380] =	vst v63  }
.LBB2_2:
0x21: {  	_ =	swait.ge [sflag:s26], $0x800  }
0x22: {  	[sflag:s26] =	ssyncset.done $0x0  }
0x23: {  	[sflag:s26] =	ssyncadd.s32 $0xFFFFF800  }
0x24: {  	_ =	swait.ge [sflag:s26], $0x800  }
0x25: {  	[sflag:s26] =	ssyncset.done $0x0  }
0x26: {  	[sflag:s26] =	ssyncadd.s32 $0xFFFFF800  }
0x27: {  	_ =	swait.ge [sflag:s26], $0x800  }
0x28: {  	[sflag:s26] =	ssyncset.done $0x0  }
0x29: {  	s21 =	simm.s32 $0xC3C0;
	[sflag:s26] =	ssyncadd.s32 $0xFFFFF800  }
0x2a: {  	s5 =	simm.s32 $0xCBC0;
	v7 =	vld [tilespmem:s21+$0x30]  }
0x2b: {  	s20 =	simm.s32 $0xD3C0;
	v2 =	vld [tilespmem:s5+$0x30]  }
0x2c: {  	v3 =	vld [tilespmem:s20+$0x30]  }
0x2d: {  	v8 =	vld [tilespmem:s5+$0xFFFFFFC0]  }
0x2e: {  	v0 =	vld [tilespmem:s21+$0xFFFFFFD0]  }
0x2f: {  	v9 =	vld [tilespmem:s5+$0xFFFFFFD0]  }
0x30: {  	v1 =	vld [tilespmem:s21+$0xFFFFFFE0]  }
0x31: {  	v10 =	vld [tilespmem:s5+$0xFFFFFFE0]  }
0x32: {  	v5 =	vld [tilespmem:s21+$0xFFFFFFF0]  }
0x33: {  	v14 =	vld [tilespmem:s5+$0xFFFFFFF0]  }
0x34: {  	v4 =	vld [tilespmem:s21+$0x0]  }
0x35: {  	v15 =	vld [tilespmem:s5+$0x0]  }
0x36: {  	v16 =	vld [tilespmem:s5+$0x10]  }
0x37: {  	v17 =	vld [tilespmem:s5+$0x20]  }
0x38: {  	v6 =	vld [tilespmem:s21+$0xFFFFFFC0]  }
0x39: {  	v18 =	vld [tilespmem:s20+$0xFFFFFFC0]  }
0x3a: {  	v19 =	vld [tilespmem:s20+$0xFFFFFFD0]  }
0x3b: {  	v20 =	vld [tilespmem:s20+$0xFFFFFFE0]  }
0x3c: {  	v21 =	vld [tilespmem:s20+$0xFFFFFFF0]  }
0x3d: {  	v22 =	vld [tilespmem:s20+$0x0]  }
0x3e: {  	v23 =	vld [tilespmem:s20+$0x10]  }
0x3f: {  	v24 =	vld [tilespmem:s20+$0x20]  }
0x40: {  	v11 =	vld.idx.msk [tilespmem:v7+s6+$0x0], $0xffff  }
0x41: {  	v12 =	vld.idx.msk [tilespmem:v2+s6+$0x0], $0xffff  }
0x42: {  	v13 =	vld.idx.msk [tilespmem:v3+s6+$0x0], $0xffff  }
0x43: {  	v2 =	vld [tilespmem:s21+$0x10]  }
0x44: {  	v3 =	vld [tilespmem:s21+$0x20]  }
0x45: {  	v25 =	vld.idx.msk [tilespmem:v6+s6+$0x0], $0xffff  }
0x46: {  	v8 =	vld.idx.msk [tilespmem:v8+s6+$0x0], $0xffff  }
0x47: {  	v26 =	vld.idx.msk [tilespmem:v0+s6+$0x0], $0xffff  }
0x48: {  	v9 =	vld.idx.msk [tilespmem:v9+s6+$0x0], $0xffff  }
0x49: {  	v27 =	vld.idx.msk [tilespmem:v1+s6+$0x0], $0xffff  }
0x4a: {  	v10 =	vld.idx.msk [tilespmem:v10+s6+$0x0], $0xffff  }
0x4b: {  	v28 =	vld.idx.msk [tilespmem:v5+s6+$0x0], $0xffff  }
0x4c: {  	v14 =	vld.idx.msk [tilespmem:v14+s6+$0x0], $0xffff  }
0x4d: {  	v29 =	vld.idx.msk [tilespmem:v4+s6+$0x0], $0xffff  }
0x4e: {  	v15 =	vld.idx.msk [tilespmem:v15+s6+$0x0], $0xffff  }
0x4f: {  	v16 =	vld.idx.msk [tilespmem:v16+s6+$0x0], $0xffff  }
0x50: {  	v17 =	vld.idx.msk [tilespmem:v17+s6+$0x0], $0xffff;
	vm0 =	veq.s32 v11, $0x1  }
0x51: {  	v18 =	vld.idx.msk [tilespmem:v18+s6+$0x0], $0xffff;
	vm1 =	veq.s32 v12, $0x1;
	vm2 =	veq.s32 v13, $0x1;
	vm3 =	veq.s32 v25, $0x1  }
0x52: {  	vm4 =	veq.s32 v8, $0x1;
	vm5 =	veq.s32 v26, $0x1;
	vm0 =	vmand vm0, vm1;
	v30 =	vld.idx.msk [tilespmem:v2+s6+$0x0], $0xffff  }
0x53: {  	vm6 =	veq.s32 v27, $0x1;
	vm1 =	veq.s32 v9, $0x1;
	vm0 =	vmand vm0, vm2;
	v13 =	vld.idx.msk [tilespmem:v3+s6+$0x0], $0xffff  }
0x54: {  	v12 =	vld.idx.msk [tilespmem:v19+s6+$0x0], $0xffff;
	vm2 =	vmand vm3, vm4;
	vm3 =	vmand vm5, vm1;
	vm1 =	veq.s32 v28, $0x1  }
0x55: {  	v11 =	vld.idx.msk [tilespmem:v20+s6+$0x0], $0xffff;
	vm4 =	veq.s32 v14, $0x1;
	v7 =	vnsel vm0, $0xC350, v7;
	vm0 =	veq.s32 v10, $0x1  }
0x56: {  	v8 =	vld.idx.msk [tilespmem:v23+s6+$0x0], $0xffff;
	vm5 =	veq.s32 v29, $0x1;
	vm0 =	vmand vm6, vm0;
	vm6 =	veq.s32 v15, $0x1  }
0x57: {  	vm9 =	veq.s32 v17, $0x1;
	v10 =	vld.idx.msk [tilespmem:v21+s6+$0x0], $0xffff;
	vm4 =	vmand vm1, vm4;
	vm1 =	vmand vm5, vm6  }
0x58: {  	s21 =	simm.s32 $0xDBC0;
	v9 =	vld.idx.msk [tilespmem:v22+s6+$0x0], $0xffff;
	vm6 =	veq.s32 v16, $0x1;
	vm5 =	veq.s32 v30, $0x1;
	vm8 =	veq.s32 v13, $0x1  }
0x59: {  	s22 =	simm.s32 $0x0;
	s23 =	simm.s32 $0xC440;
	vm7 =	veq.s32 v18, $0x1;
	[tilespmem:s21+$0x30] =	vst v7;
	v7 =	vld.idx.msk [tilespmem:v24+s6+$0x0], $0xffff;
	vm5 =	vmand vm5, vm6;
	vm6 =	vmand vm8, vm9  }
.LBB2_3:
0x5a: {  	v13 =	vld [tilespmem:s23+$0x30];
	vm2 =	vmand vm2, vm7;
	vm7 =	veq.s32 v12, $0x1;
	s5 =	sadd.s32 $0x80, s5  }
0x5b: {  	s22 =	sadd.s32 $0x8, s22;
	s20 =	sadd.s32 $0x80, s20;
	v12 =	vld [tilespmem:s5+$0x30];
	v6 =	vnsel vm2, $0xC350, v6;
	vm2 =	vmand vm3, vm7;
	vm3 =	veq.s32 v11, $0x1  }
0x5c: {  	p0 =	slt.u32 s22, $0x78;
	v11 =	vld [tilespmem:s20+$0x30];
	[tilespmem:s21+$0xFFFFFFC0] =	vst v6;
	v0 =	vnsel vm2, $0xC350, v0;
	vm0 =	vmand vm0, vm3;
	vm2 =	veq.s32 v10, $0x1  }
0x5d: {  	v10 =	vld [tilespmem:s5+$0xFFFFFFC0];
	[tilespmem:s21+$0xFFFFFFD0] =	vst v0;
	v1 =	vnsel vm0, $0xC350, v1;
	vm0 =	vmand vm4, vm2;
	vm2 =	veq.s32 v9, $0x1  }
0x5e: {  	v0 =	vld [tilespmem:s23+$0xFFFFFFD0];
	[tilespmem:s21+$0xFFFFFFE0] =	vst v1;
	v1 =	vnsel vm0, $0xC350, v5;
	vm0 =	vmand vm1, vm2;
	vm1 =	veq.s32 v8, $0x1  }
0x5f: {  	v8 =	vld [tilespmem:s5+$0xFFFFFFD0];
	[tilespmem:s21+$0xFFFFFFF0] =	vst v1;
	v4 =	vnsel vm0, $0xC350, v4;
	vm0 =	vmand vm5, vm1;
	vm1 =	veq.s32 v7, $0x1  }
0x60: {  	v1 =	vld [tilespmem:s23+$0xFFFFFFE0];
	[tilespmem:s21+$0x0] =	vst v4;
	v2 =	vnsel vm0, $0xC350, v2;
	vm0 =	vmand vm6, vm1  }
0x61: {  	v7 =	vld [tilespmem:s5+$0xFFFFFFE0];
	[tilespmem:s21+$0x10] =	vst v2;
	v2 =	vnsel vm0, $0xC350, v3  }
0x62: {  	v3 =	vld.idx.msk [tilespmem:v13+s6+$0x0], $0xffff;
	[tilespmem:s21+$0x20] =	vst v2  }
0x63: {  	v6 =	vld.idx.msk [tilespmem:v12+s6+$0x0], $0xffff  }
0x64: {  	v9 =	vld.idx.msk [tilespmem:v11+s6+$0x0], $0xffff  }
0x65: {  	v5 =	vld [tilespmem:s23+$0xFFFFFFF0]  }
0x66: {  	v11 =	vld [tilespmem:s5+$0xFFFFFFF0]  }
0x67: {  	v4 =	vld [tilespmem:s23+$0x0]  }
0x68: {  	v12 =	vld [tilespmem:s5+$0x0]  }
0x69: {  	vm0 =	veq.s32 v3, $0x1;
	vm1 =	veq.s32 v6, $0x1;
	v2 =	vld [tilespmem:s23+$0x10]  }
0x6a: {  	vm0 =	vmand vm0, vm1;
	vm1 =	veq.s32 v9, $0x1;
	v14 =	vld [tilespmem:s5+$0x10]  }
0x6b: {  	vm0 =	vmand vm0, vm1;
	v3 =	vld [tilespmem:s23+$0x20]  }
0x6c: {  	s21 =	sadd.s32 $0x80, s21;
	v13 =	vnsel vm0, $0xC350, v13;
	v9 =	vld [tilespmem:s5+$0x20]  }
0x6d: {  	v6 =	vld [tilespmem:s23+$0xFFFFFFC0];
	[tilespmem:s21+$0x30] =	vst v13  }
0x6e: {  	v13 =	vld [tilespmem:s20+$0xFFFFFFC0]  }
0x6f: {  	v15 =	vld [tilespmem:s20+$0xFFFFFFD0]  }
0x70: {  	v16 =	vld [tilespmem:s20+$0xFFFFFFE0]  }
0x71: {  	v17 =	vld [tilespmem:s20+$0xFFFFFFF0]  }
0x72: {  	v18 =	vld [tilespmem:s20+$0x0]  }
0x73: {  	v19 =	vld [tilespmem:s20+$0x10]  }
0x74: {  	v20 =	vld [tilespmem:s20+$0x20]  }
0x75: {  	v21 =	vld.idx.msk [tilespmem:v6+s6+$0x0], $0xffff  }
0x76: {  	v10 =	vld.idx.msk [tilespmem:v10+s6+$0x0], $0xffff  }
0x77: {  	v22 =	vld.idx.msk [tilespmem:v0+s6+$0x0], $0xffff  }
0x78: {  	v8 =	vld.idx.msk [tilespmem:v8+s6+$0x0], $0xffff  }
0x79: {  	v23 =	vld.idx.msk [tilespmem:v1+s6+$0x0], $0xffff  }
0x7a: {  	v7 =	vld.idx.msk [tilespmem:v7+s6+$0x0], $0xffff  }
0x7b: {  	vm0 =	veq.s32 v21, $0x1;
	v21 =	vld.idx.msk [tilespmem:v5+s6+$0x0], $0xffff  }
0x7c: {  	vm1 =	veq.s32 v10, $0x1;
	v10 =	vld.idx.msk [tilespmem:v11+s6+$0x0], $0xffff  }
0x7d: {  	vm2 =	vmand vm0, vm1;
	vm0 =	veq.s32 v22, $0x1;
	v11 =	vld.idx.msk [tilespmem:v4+s6+$0x0], $0xffff  }
0x7e: {  	vm1 =	veq.s32 v8, $0x1;
	v8 =	vld.idx.msk [tilespmem:v12+s6+$0x0], $0xffff  }
0x7f: {  	vm3 =	vmand vm0, vm1;
	vm0 =	veq.s32 v23, $0x1;
	v22 =	vld.idx.msk [tilespmem:v2+s6+$0x0], $0xffff  }
0x80: {  	vm1 =	veq.s32 v7, $0x1;
	v7 =	vld.idx.msk [tilespmem:v14+s6+$0x0], $0xffff  }
0x81: {  	vm0 =	vmand vm0, vm1;
	vm1 =	veq.s32 v21, $0x1;
	v14 =	vld.idx.msk [tilespmem:v3+s6+$0x0], $0xffff  }
0x82: {  	vm4 =	veq.s32 v10, $0x1;
	v21 =	vld.idx.msk [tilespmem:v9+s6+$0x0], $0xffff  }
0x83: {  	vm4 =	vmand vm1, vm4;
	vm1 =	veq.s32 v11, $0x1;
	v13 =	vld.idx.msk [tilespmem:v13+s6+$0x0], $0xffff  }
0x84: {  	vm5 =	veq.s32 v8, $0x1;
	v12 =	vld.idx.msk [tilespmem:v15+s6+$0x0], $0xffff  }
.Ltmp0:
0x85: {  	vm1 =	vmand vm1, vm5;
	vm5 =	veq.s32 v22, $0x1;
	v11 =	vld.idx.msk [tilespmem:v16+s6+$0x0], $0xffff;
	(pc) =	sbr.rel @p0 .LBB2_3-.Ltmp0, $4  }
0x86: {  	vm6 =	veq.s32 v7, $0x1;
	v10 =	vld.idx.msk [tilespmem:v17+s6+$0x0], $0xffff  }
0x87: {  	vm5 =	vmand vm5, vm6;
	vm6 =	veq.s32 v14, $0x1;
	v9 =	vld.idx.msk [tilespmem:v18+s6+$0x0], $0xffff  }
0x88: {  	vm8 =	veq.s32 v21, $0x1;
	v8 =	vld.idx.msk [tilespmem:v19+s6+$0x0], $0xffff  }
0x89: {  	s23 =	sadd.s32 $0x80, s23;
	vm7 =	veq.s32 v13, $0x1;
	vm6 =	vmand vm6, vm8;
	v7 =	vld.idx.msk [tilespmem:v20+s6+$0x0], $0xffff  }
0x8a: {  	vm2 =	vmand vm2, vm7;
	vm7 =	veq.s32 v12, $0x1  }
0x8b: {  	v6 =	vnsel vm2, $0xC350, v6;
	vm2 =	vmand vm3, vm7;
	vm3 =	veq.s32 v11, $0x1  }
0x8c: {  	[tilespmem:s21+$0xFFFFFFC0] =	vst v6;
	v0 =	vnsel vm2, $0xC350, v0;
	vm0 =	vmand vm0, vm3;
	vm2 =	veq.s32 v10, $0x1  }
0x8d: {  	s5 =	sshll.u32 s1, $0x1;
	[tilespmem:s21+$0xFFFFFFD0] =	vst v0;
	v0 =	vnsel vm0, $0xC350, v1;
	vm0 =	vmand vm4, vm2;
	vm2 =	veq.s32 v9, $0x1  }
0x8e: {  	s20 =	sadd.s32 s10, s5;
	[tilespmem:s21+$0xFFFFFFE0] =	vst v0;
	v0 =	vnsel vm0, $0xC350, v5;
	vm0 =	vmand vm1, vm2;
	vm1 =	veq.s32 v8, $0x1  }
0x8f: {  	s20 =	sshll.u32 s20, $0xB;
	[tilespmem:s21+$0xFFFFFFF0] =	vst v0;
	v0 =	vnsel vm0, $0xC350, v4;
	vm0 =	vmand vm5, vm1;
	vm1 =	veq.s32 v7, $0x1  }
0x90: {  	s20 =	smin.u32 s20, $0xC2D00;
	[tilespmem:s21+$0x0] =	vst v0;
	v0 =	vnsel vm0, $0xC350, v2;
	vm0 =	vmand vm6, vm1  }
0x91: {  	s20 =	sshrl.u32 s20, $0x3;
	[tilespmem:s21+$0x10] =	vst v0;
	v0 =	vnsel vm0, $0xC350, v3  }
0x92: {  	p0 =	seq.s32 s1, $0x6;
	s20 =	sadd.s32 s7, s20;
	[tilespmem:s21+$0x20] =	vst v0  }
0x93: {  	[hbm4b:s20+s6] =	stream.linear.scatter [tilespmem:s28], [sflag:$0x3], $0x800, $0x38;
	[tilespmem:$0x10380] =	vst v63  }
0x94: {  	s20 =	sadd.s32 @!p0 s5, s15  }
0x95: {  	s20 =	sshll.u32 @!p0 s20, $0xB  }
0x96: {  	s20 =	smin.u32 @!p0 s20, $0xC2D00  }
0x97: {  	s20 =	sshrl.u32 @!p0 s20, $0x3  }
0x98: {  	s22 =	simm.s32 @!p0 $0x0;
	s23 =	simm.s32 @!p0 $0xC380;
	s21 =	sadd.s32 @!p0 s0, s20  }
0x99: {  	[tilespmem:s23], [sflag:$0x1] =	stream.linear.gather @!p0 [hbm4b:s21+s22], $0x800, $0x38;
	[tilespmem:$0x10380] =	vst v63  }
0x9a: {  	s21 =	sadd.s32 @!p0 s2, s20;
	s23 =	simm.s32 @!p0 $0xCB80  }
0x9b: {  	[tilespmem:s23], [sflag:$0x1] =	stream.linear.gather @!p0 [hbm4b:s21+s22], $0x800, $0x38;
	[tilespmem:$0x10380] =	vst v63  }
0x9c: {  	s20 =	sadd.s32 @!p0 s3, s20;
	s21 =	simm.s32 @!p0 $0xD380  }
0x9d: {  	[tilespmem:s21], [sflag:$0x1] =	stream.linear.gather @!p0 [hbm4b:s20+s22], $0x800, $0x38;
	[tilespmem:$0x10380] =	vst v63  }
0x9e: {  	_ =	swait.ge [sflag:s29], $0x800  }
0x9f: {  	[sflag:s29] =	ssyncset.done $0x0  }
0xa0: {  	[sflag:s29] =	ssyncadd.s32 $0xFFFFF800  }
0xa1: {  	_ =	swait.ge [sflag:s29], $0x800  }
0xa2: {  	[sflag:s29] =	ssyncset.done $0x0  }
0xa3: {  	[sflag:s29] =	ssyncadd.s32 $0xFFFFF800  }
0xa4: {  	_ =	swait.ge [sflag:s29], $0x800  }
0xa5: {  	[sflag:s29] =	ssyncset.done $0x0  }
0xa6: {  	s24 =	simm.s32 $0xE3C0;
	[sflag:s29] =	ssyncadd.s32 $0xFFFFF800  }
0xa7: {  	s20 =	simm.s32 $0xEBC0;
	v7 =	vld [tilespmem:s24+$0x30]  }
0xa8: {  	s21 =	simm.s32 $0xF3C0;
	v2 =	vld [tilespmem:s20+$0x30]  }
0xa9: {  	v3 =	vld [tilespmem:s21+$0x30]  }
0xaa: {  	v8 =	vld [tilespmem:s20+$0xFFFFFFC0]  }
0xab: {  	v0 =	vld [tilespmem:s24+$0xFFFFFFD0]  }
0xac: {  	v9 =	vld [tilespmem:s20+$0xFFFFFFD0]  }
0xad: {  	v1 =	vld [tilespmem:s24+$0xFFFFFFE0]  }
0xae: {  	v10 =	vld [tilespmem:s20+$0xFFFFFFE0]  }
0xaf: {  	v5 =	vld [tilespmem:s24+$0xFFFFFFF0]  }
0xb0: {  	v14 =	vld [tilespmem:s20+$0xFFFFFFF0]  }
0xb1: {  	v4 =	vld [tilespmem:s24+$0x0]  }
0xb2: {  	v15 =	vld [tilespmem:s20+$0x0]  }
0xb3: {  	v16 =	vld [tilespmem:s20+$0x10]  }
0xb4: {  	v17 =	vld [tilespmem:s20+$0x20]  }
0xb5: {  	v6 =	vld [tilespmem:s24+$0xFFFFFFC0]  }
0xb6: {  	v18 =	vld [tilespmem:s21+$0xFFFFFFC0]  }
0xb7: {  	v19 =	vld [tilespmem:s21+$0xFFFFFFD0]  }
0xb8: {  	v20 =	vld [tilespmem:s21+$0xFFFFFFE0]  }
0xb9: {  	v21 =	vld [tilespmem:s21+$0xFFFFFFF0]  }
0xba: {  	v22 =	vld [tilespmem:s21+$0x0]  }
0xbb: {  	v23 =	vld [tilespmem:s21+$0x10]  }
0xbc: {  	v24 =	vld [tilespmem:s21+$0x20]  }
0xbd: {  	v11 =	vld.idx.msk [tilespmem:v7+s6+$0x0], $0xffff  }
0xbe: {  	v12 =	vld.idx.msk [tilespmem:v2+s6+$0x0], $0xffff  }
0xbf: {  	v13 =	vld.idx.msk [tilespmem:v3+s6+$0x0], $0xffff  }
0xc0: {  	v2 =	vld [tilespmem:s24+$0x10]  }
0xc1: {  	v3 =	vld [tilespmem:s24+$0x20]  }
0xc2: {  	v25 =	vld.idx.msk [tilespmem:v6+s6+$0x0], $0xffff  }
0xc3: {  	v8 =	vld.idx.msk [tilespmem:v8+s6+$0x0], $0xffff  }
0xc4: {  	v26 =	vld.idx.msk [tilespmem:v0+s6+$0x0], $0xffff  }
0xc5: {  	v9 =	vld.idx.msk [tilespmem:v9+s6+$0x0], $0xffff  }
0xc6: {  	v27 =	vld.idx.msk [tilespmem:v1+s6+$0x0], $0xffff  }
0xc7: {  	v10 =	vld.idx.msk [tilespmem:v10+s6+$0x0], $0xffff  }
0xc8: {  	v28 =	vld.idx.msk [tilespmem:v5+s6+$0x0], $0xffff  }
0xc9: {  	v14 =	vld.idx.msk [tilespmem:v14+s6+$0x0], $0xffff  }
0xca: {  	v29 =	vld.idx.msk [tilespmem:v4+s6+$0x0], $0xffff  }
0xcb: {  	v15 =	vld.idx.msk [tilespmem:v15+s6+$0x0], $0xffff  }
0xcc: {  	v16 =	vld.idx.msk [tilespmem:v16+s6+$0x0], $0xffff  }
0xcd: {  	v17 =	vld.idx.msk [tilespmem:v17+s6+$0x0], $0xffff;
	vm0 =	veq.s32 v11, $0x1  }
0xce: {  	v18 =	vld.idx.msk [tilespmem:v18+s6+$0x0], $0xffff;
	vm1 =	veq.s32 v12, $0x1;
	vm2 =	veq.s32 v13, $0x1;
	vm3 =	veq.s32 v25, $0x1  }
0xcf: {  	vm4 =	veq.s32 v8, $0x1;
	vm5 =	veq.s32 v26, $0x1;
	vm0 =	vmand vm0, vm1;
	v30 =	vld.idx.msk [tilespmem:v2+s6+$0x0], $0xffff  }
0xd0: {  	vm6 =	veq.s32 v27, $0x1;
	vm1 =	veq.s32 v9, $0x1;
	vm0 =	vmand vm0, vm2;
	v13 =	vld.idx.msk [tilespmem:v3+s6+$0x0], $0xffff  }
0xd1: {  	v12 =	vld.idx.msk [tilespmem:v19+s6+$0x0], $0xffff;
	vm2 =	vmand vm3, vm4;
	vm3 =	vmand vm5, vm1;
	vm1 =	veq.s32 v28, $0x1  }
0xd2: {  	v11 =	vld.idx.msk [tilespmem:v20+s6+$0x0], $0xffff;
	vm4 =	veq.s32 v14, $0x1;
	v7 =	vnsel vm0, $0xC350, v7;
	vm0 =	veq.s32 v10, $0x1  }
0xd3: {  	v8 =	vld.idx.msk [tilespmem:v23+s6+$0x0], $0xffff;
	vm5 =	veq.s32 v29, $0x1;
	vm0 =	vmand vm6, vm0;
	vm6 =	veq.s32 v15, $0x1  }
0xd4: {  	vm9 =	veq.s32 v17, $0x1;
	v10 =	vld.idx.msk [tilespmem:v21+s6+$0x0], $0xffff;
	vm4 =	vmand vm1, vm4;
	vm1 =	vmand vm5, vm6  }
0xd5: {  	s22 =	simm.s32 $0xFBC0;
	v9 =	vld.idx.msk [tilespmem:v22+s6+$0x0], $0xffff;
	vm6 =	veq.s32 v16, $0x1;
	vm5 =	veq.s32 v30, $0x1;
	vm8 =	veq.s32 v13, $0x1  }
0xd6: {  	s23 =	simm.s32 $0x0;
	s24 =	simm.s32 $0xE440;
	vm7 =	veq.s32 v18, $0x1;
	[tilespmem:s22+$0x30] =	vst v7;
	v7 =	vld.idx.msk [tilespmem:v24+s6+$0x0], $0xffff;
	vm5 =	vmand vm5, vm6;
	vm6 =	vmand vm8, vm9  }
.LBB2_5:
0xd7: {  	v13 =	vld [tilespmem:s24+$0x30];
	vm2 =	vmand vm2, vm7;
	vm7 =	veq.s32 v12, $0x1;
	s20 =	sadd.s32 $0x80, s20  }
0xd8: {  	s23 =	sadd.s32 $0x8, s23;
	s21 =	sadd.s32 $0x80, s21;
	v12 =	vld [tilespmem:s20+$0x30];
	v6 =	vnsel vm2, $0xC350, v6;
	vm2 =	vmand vm3, vm7;
	vm3 =	veq.s32 v11, $0x1  }
0xd9: {  	p1 =	slt.u32 s23, $0x78;
	v11 =	vld [tilespmem:s21+$0x30];
	[tilespmem:s22+$0xFFFFFFC0] =	vst v6;
	v0 =	vnsel vm2, $0xC350, v0;
	vm0 =	vmand vm0, vm3;
	vm2 =	veq.s32 v10, $0x1  }
0xda: {  	v10 =	vld [tilespmem:s20+$0xFFFFFFC0];
	[tilespmem:s22+$0xFFFFFFD0] =	vst v0;
	v1 =	vnsel vm0, $0xC350, v1;
	vm0 =	vmand vm4, vm2;
	vm2 =	veq.s32 v9, $0x1  }
0xdb: {  	v0 =	vld [tilespmem:s24+$0xFFFFFFD0];
	[tilespmem:s22+$0xFFFFFFE0] =	vst v1;
	v1 =	vnsel vm0, $0xC350, v5;
	vm0 =	vmand vm1, vm2;
	vm1 =	veq.s32 v8, $0x1  }
0xdc: {  	v8 =	vld [tilespmem:s20+$0xFFFFFFD0];
	[tilespmem:s22+$0xFFFFFFF0] =	vst v1;
	v4 =	vnsel vm0, $0xC350, v4;
	vm0 =	vmand vm5, vm1;
	vm1 =	veq.s32 v7, $0x1  }
0xdd: {  	v1 =	vld [tilespmem:s24+$0xFFFFFFE0];
	[tilespmem:s22+$0x0] =	vst v4;
	v2 =	vnsel vm0, $0xC350, v2;
	vm0 =	vmand vm6, vm1  }
0xde: {  	v7 =	vld [tilespmem:s20+$0xFFFFFFE0];
	[tilespmem:s22+$0x10] =	vst v2;
	v2 =	vnsel vm0, $0xC350, v3  }
0xdf: {  	v3 =	vld.idx.msk [tilespmem:v13+s6+$0x0], $0xffff;
	[tilespmem:s22+$0x20] =	vst v2  }
0xe0: {  	v6 =	vld.idx.msk [tilespmem:v12+s6+$0x0], $0xffff  }
0xe1: {  	v9 =	vld.idx.msk [tilespmem:v11+s6+$0x0], $0xffff  }
0xe2: {  	v5 =	vld [tilespmem:s24+$0xFFFFFFF0]  }
0xe3: {  	v11 =	vld [tilespmem:s20+$0xFFFFFFF0]  }
0xe4: {  	v4 =	vld [tilespmem:s24+$0x0]  }
0xe5: {  	v12 =	vld [tilespmem:s20+$0x0]  }
0xe6: {  	vm0 =	veq.s32 v3, $0x1;
	vm1 =	veq.s32 v6, $0x1;
	v2 =	vld [tilespmem:s24+$0x10]  }
0xe7: {  	vm0 =	vmand vm0, vm1;
	vm1 =	veq.s32 v9, $0x1;
	v14 =	vld [tilespmem:s20+$0x10]  }
0xe8: {  	vm0 =	vmand vm0, vm1;
	v3 =	vld [tilespmem:s24+$0x20]  }
0xe9: {  	s22 =	sadd.s32 $0x80, s22;
	v13 =	vnsel vm0, $0xC350, v13;
	v9 =	vld [tilespmem:s20+$0x20]  }
0xea: {  	v6 =	vld [tilespmem:s24+$0xFFFFFFC0];
	[tilespmem:s22+$0x30] =	vst v13  }
0xeb: {  	v13 =	vld [tilespmem:s21+$0xFFFFFFC0]  }
0xec: {  	v15 =	vld [tilespmem:s21+$0xFFFFFFD0]  }
0xed: {  	v16 =	vld [tilespmem:s21+$0xFFFFFFE0]  }
0xee: {  	v17 =	vld [tilespmem:s21+$0xFFFFFFF0]  }
0xef: {  	v18 =	vld [tilespmem:s21+$0x0]  }
0xf0: {  	v19 =	vld [tilespmem:s21+$0x10]  }
0xf1: {  	v20 =	vld [tilespmem:s21+$0x20]  }
0xf2: {  	v21 =	vld.idx.msk [tilespmem:v6+s6+$0x0], $0xffff  }
0xf3: {  	v10 =	vld.idx.msk [tilespmem:v10+s6+$0x0], $0xffff  }
0xf4: {  	v22 =	vld.idx.msk [tilespmem:v0+s6+$0x0], $0xffff  }
0xf5: {  	v8 =	vld.idx.msk [tilespmem:v8+s6+$0x0], $0xffff  }
0xf6: {  	v23 =	vld.idx.msk [tilespmem:v1+s6+$0x0], $0xffff  }
0xf7: {  	v7 =	vld.idx.msk [tilespmem:v7+s6+$0x0], $0xffff  }
0xf8: {  	vm0 =	veq.s32 v21, $0x1;
	v21 =	vld.idx.msk [tilespmem:v5+s6+$0x0], $0xffff  }
0xf9: {  	vm1 =	veq.s32 v10, $0x1;
	v10 =	vld.idx.msk [tilespmem:v11+s6+$0x0], $0xffff  }
0xfa: {  	vm2 =	vmand vm0, vm1;
	vm0 =	veq.s32 v22, $0x1;
	v11 =	vld.idx.msk [tilespmem:v4+s6+$0x0], $0xffff  }
0xfb: {  	vm1 =	veq.s32 v8, $0x1;
	v8 =	vld.idx.msk [tilespmem:v12+s6+$0x0], $0xffff  }
0xfc: {  	vm3 =	vmand vm0, vm1;
	vm0 =	veq.s32 v23, $0x1;
	v22 =	vld.idx.msk [tilespmem:v2+s6+$0x0], $0xffff  }
0xfd: {  	vm1 =	veq.s32 v7, $0x1;
	v7 =	vld.idx.msk [tilespmem:v14+s6+$0x0], $0xffff  }
0xfe: {  	vm0 =	vmand vm0, vm1;
	vm1 =	veq.s32 v21, $0x1;
	v14 =	vld.idx.msk [tilespmem:v3+s6+$0x0], $0xffff  }
0xff: {  	vm4 =	veq.s32 v10, $0x1;
	v21 =	vld.idx.msk [tilespmem:v9+s6+$0x0], $0xffff  }
0x100: {  	vm4 =	vmand vm1, vm4;
	vm1 =	veq.s32 v11, $0x1;
	v13 =	vld.idx.msk [tilespmem:v13+s6+$0x0], $0xffff  }
0x101: {  	vm5 =	veq.s32 v8, $0x1;
	v12 =	vld.idx.msk [tilespmem:v15+s6+$0x0], $0xffff  }
.Ltmp1:
0x102: {  	vm1 =	vmand vm1, vm5;
	vm5 =	veq.s32 v22, $0x1;
	v11 =	vld.idx.msk [tilespmem:v16+s6+$0x0], $0xffff;
	(pc) =	sbr.rel @p1 .LBB2_5-.Ltmp1, $4  }
0x103: {  	vm6 =	veq.s32 v7, $0x1;
	v10 =	vld.idx.msk [tilespmem:v17+s6+$0x0], $0xffff  }
0x104: {  	vm5 =	vmand vm5, vm6;
	vm6 =	veq.s32 v14, $0x1;
	v9 =	vld.idx.msk [tilespmem:v18+s6+$0x0], $0xffff  }
0x105: {  	vm8 =	veq.s32 v21, $0x1;
	v8 =	vld.idx.msk [tilespmem:v19+s6+$0x0], $0xffff  }
0x106: {  	s24 =	sadd.s32 $0x80, s24;
	vm7 =	veq.s32 v13, $0x1;
	vm6 =	vmand vm6, vm8;
	v7 =	vld.idx.msk [tilespmem:v20+s6+$0x0], $0xffff  }
0x107: {  	vm2 =	vmand vm2, vm7;
	vm14 =	veq.s32 v12, $0x1  }
0x108: {  	vm7 =	veq.s32 v11, $0x1;
	v6 =	vnsel vm2, $0xC350, v6;
	vm15 =	vmand vm3, vm14  }
0x109: {  	vm0 =	vmand vm0, vm7;
	vm8 =	veq.s32 v10, $0x1;
	[tilespmem:s22+$0xFFFFFFC0] =	vst v6;
	v0 =	vnsel vm15, $0xC350, v0  }
0x10a: {  	v59 =	vnsel vm0, $0xC350, v1;
	vm9 =	vmand vm4, vm8;
	vm10 =	veq.s32 v9, $0x1;
	[tilespmem:s22+$0xFFFFFFD0] =	vst v0  }
0x10b: {  	s20 =	sadd.s32 s5, s16;
	[tilespmem:s22+$0xFFFFFFE0] =	vst v59;
	v60 =	vnsel vm9, $0xC350, v5;
	vm11 =	vmand vm1, vm10;
	vm12 =	veq.s32 v8, $0x1  }
0x10c: {  	s5 =	sadd.s32 @!p0 s5, s17;
	s20 =	sshll.u32 s20, $0xB;
	[tilespmem:s22+$0xFFFFFFF0] =	vst v60;
	v61 =	vnsel vm11, $0xC350, v4;
	vm13 =	vmand vm5, vm12;
	vm14 =	veq.s32 v7, $0x1  }
0x10d: {  	s5 =	sshll.u32 @!p0 s5, $0xB;
	s20 =	smin.u32 s20, $0xC2D00;
	[tilespmem:s22+$0x0] =	vst v61;
	v62 =	vnsel vm13, $0xC350, v2;
	vm15 =	vmand vm6, vm14  }
0x10e: {  	s5 =	smin.u32 @!p0 s5, $0xC2D00;
	s20 =	sshrl.u32 s20, $0x3;
	[tilespmem:s22+$0x10] =	vst v62;
	v63 =	vnsel vm15, $0xC350, v3  }
0x10f: {  	s5 =	sshrl.u32 @!p0 s5, $0x3;
	s20 =	sadd.s32 s7, s20;
	[tilespmem:s22+$0x20] =	vst v63  }
0x110: {  	[hbm4b:s20+s6] =	stream.linear.scatter [tilespmem:s30], [sflag:$0x3], $0x800, $0x38;
	[tilespmem:$0x10380] =	vst v63  }
0x111: {  	s21 =	simm.s32 @!p0 $0x0;
	s22 =	simm.s32 @!p0 $0xE380;
	s20 =	sadd.s32 @!p0 s0, s5  }
0x112: {  	[tilespmem:s22], [sflag:$0x2] =	stream.linear.gather @!p0 [hbm4b:s20+s21], $0x800, $0x38;
	[tilespmem:$0x10380] =	vst v63  }
0x113: {  	s20 =	sadd.s32 @!p0 s2, s5;
	s22 =	simm.s32 @!p0 $0xEB80  }
0x114: {  	[tilespmem:s22], [sflag:$0x2] =	stream.linear.gather @!p0 [hbm4b:s20+s21], $0x800, $0x38;
	[tilespmem:$0x10380] =	vst v63  }
0x115: {  	s1 =	sadd.s32 $0x1, s1;
	s5 =	sadd.s32 @!p0 s3, s5;
	s20 =	simm.s32 @!p0 $0xF380  }
0x116: {  	[tilespmem:s20], [sflag:$0x2] =	stream.linear.gather @!p0 [hbm4b:s5+s21], $0x800, $0x38;
	[tilespmem:$0x10380] =	vst v63  }
0x117: {  	p0 =	sne.s32 s1, $0x7;
	_ =	swait.ge [sflag:s31], $0x800  }
.Ltmp2:
0x118: {  	[sflag:s31] =	ssyncset.done $0x0;
	(pc) =	sbr.rel @p0 .LBB2_2-.Ltmp2, $4  }
0x119: {  	[sflag:s31] =	ssyncadd.s32 $0xFFFFF800  }
0x11a: {  	_ =	swait.ge [sflag:s31], $0x800  }
0x11b: {  	[sflag:s31] =	ssyncset.done $0x0  }
0x11c: {  	[sflag:s31] =	ssyncadd.s32 $0xFFFFF800  }
0x11d: {  	s4 =	sadd.s32 $0x1, s4  }
0x11e: {  	p0 =	sne.s32 s4, s18  }
.Ltmp3:
0x11f: {  	_ = 	snop;
	(pc) =	sbr.rel @p0 .LBB2_1-.Ltmp3, $1  }
0x120: {  	_ =	sdelay $0x3  }
0x121: {  	_ =	sfence.sel $0x180000  }
0x122: {  	[bflag:$0x0] =	sbarrier.arrive $0xFFFF  }
0x123: {  	_ =	strace $0x90000047  }
0x124: {  	s0 =	stileid.u32;
	[bflag:$0x2] =	sbarrier.arrive $0xFFFF  }
0x125: {  	p0 =	sne.s32 s0, $0x0;
	s0 =	rddreg [dreg:$0x5]  }
0x126: {  	s0 =	sadd.s32 @!p0 $0x100000, s0  }
0x127: {  	[sflag:s0] =	ssyncadd.tile.s32 @!p0 $0x1;
	_ =	shalt  }
.Lfunc_end2:
_tile_overlayer_lowered:
.L_overlay_start_2:
0x128: {  	(tag) =	ssettag $0x2  }
0x129: {  	s0 =	rddreg [dreg:$0x0];
	s2 =	stileid.u32  }
0x12a: {  	s1 =	rddreg [dreg:$0x1];
	p0 =	sne.s32 s2, $0x0  }
0x12b: {  	s3 =	rddreg [dreg:$0x2];
	[bflag:$0x3] =	sbarrier.arrive $0xFFFF;
	s2 =	simm.s32 @!p0 $0x1C04  }
0x12c: {  	[timem:s3], [sflag:s2] =	dma.local @!p0 [hbm:s0], s1  }
0x12d: {  	s0 =	simm.s32 @!p0 $0x4  }
0x12e: {  	_ =	swait.ge @!p0 [sflag:s0], s1  }
0x12f: {  	s1 =	ssub.s32 @!p0 $0x0, s1;
	[sflag:s0] =	ssyncset.done @!p0 $0x0  }
0x130: {  	[sflag:s0] =	ssyncadd.s32 @!p0 s1  }
0x131: {  	[bflag:$0x3] =	sbarrier.arrive $0xFFFF  }
0x132: {  	_ =	shalt  }

// kernel: kernel.9.cloned.1.call-start
scs
__scs_entry_jumppad:
0x0: {  	(pc) =	sbr.rel $0x88, $3  }
0x1: {  	(tag) =	ssettag $0x0;
	lr =	simm.s32 $0x1  }
0x2: {  	[smem:$0x3F9A] =	sst lr;
	_ =	strace $0xD0000000  }
0x3: {  	_ = 	snop  }
0x4: {  	_ = 	snop  }
0x5: {  	_ = 	snop  }
0x6: {  	_ = 	snop  }
0x7: {  	_ = 	snop  }
__scs_overlays_trampoline_lowered:
0x8: {  	[smem:$0x3FA9] =	sst s0  }
0x9: {  	[smem:$0x3FAA] =	sst s1  }
0xa: {  	[smem:$0x3FAB] =	sst s2  }
0xb: {  	[smem:$0x3FAC] =	sst s3  }
0xc: {  	[smem:$0x3FAD] =	sst s4  }
0xd: {  	[smem:$0x3FAE] =	sst s5  }
0xe: {  	[smem:$0x3FAF] =	sst s6  }
0xf: {  	[smem:$0x3FB0] =	sst s7  }
0x10: {  	[smem:$0x3FB1] =	sst s8  }
0x11: {  	[smem:$0x3FB2] =	sst s9;
	s0 =	simm.s32 @!p0 $0x0  }
0x12: {  	s1 =	sld [smem:$0x3F98];
	s0 =	simm.s32 @p0 $0x1  }
0x13: {  	[smem:$0x3FB3] =	sst s0;
	s0 =	simm.s32 @!p1 $0x0  }
0x14: {  	s2 =	sld [smem:$0x3F97];
	s0 =	simm.s32 @p1 $0x1  }
0x15: {  	[smem:$0x3FB4] =	sst s0;
	s0 =	simm.s32 @!p2 $0x0  }
0x16: {  	s3 =	sld [smem:$0x3FDB];
	s0 =	simm.s32 @p2 $0x1  }
0x17: {  	s4 =	simm.s32 $0x1BF5;
	[smem:$0x3FB6] =	sst s0  }
0x18: {  	s0 =	sld [smem:$0x3F99];
	_ =	swait.ge [sflag:s4], $0x0  }
0x19: {  	s7 =	sld [smem:$0x3F9A]  }
0x1a: {  	s8 =	sadd.s32 $0xFFFFE003, lr  }
0x1b: {  	s9 =	sadd.s32 $0xFFFFFEF7, lr;
	s5 =	simm.s32 $0xFFFFFFFF;
	p2 =	slt.u32 s8, $0xFFFFF086  }
0x1c: {  	p1 =	slt.u32 s9, $0xF7A;
	s5 =	simm.s32 @!p2 $0x0  }
0x1d: {  	s5 =	simm.s32 @p1 $0x1;
	p0 =	seq.s32 s7, s2  }
0x1e: {  	s7 =	smul.u32 @!p0 $0xF7A, s2;
	p2 =	seq.s32 @!p0 s5, $0x0  }
0x1f: {  	s9 =	smul.u32 $0xF7A, s1;
	s8 =	simm.s32 @!p0 $0x1BF5;
	p2 =	por !p2, p0  }
0x20: {  	[sflag:s8] =	ssyncset.s32 @!p0 $0xFFFFF086;
	s6 =	sadd.s32 @!p0 s3, s7;
	s7 =	simm.s32 @!p0 $0x108  }
0x21: {  	s3 =	sadd.s32 s3, s9;
	s6 =	sadd.s32 @!p0 $0x88, s6;
	s7 =	simm.s32 @p2 $0x1082  }
0x22: {  	[simem:s7], [sflag:s8] =	dma.local @!p0 [hbm:s6], $0xF7A  }
0x23: {  	s9 =	sor.u32 $0xD0000000, s2;
	s6 =	simm.s32 $0x108;
	_ =	swait.ge @!p0 [sflag:s8], $0x0  }
0x24: {  	s3 =	sadd.s32 $0x88, s3;
	s6 =	simm.s32 @!p1 $0x1082;
	[sflag:s4] =	ssyncset.s32 $0xFFFFF086  }
0x25: {  	[simem:s6], [sflag:s4] =	dma.local [hbm:s3], $0xF7A  }
0x26: {  	[smem:$0x3F9A] =	sst s1;
	(tag) =	ssettag s2;
	_ =	strace s9  }
0x27: {  	s1 =	sld [smem:$0x3FAA]  }
0x28: {  	s2 =	sld [smem:$0x3FAB]  }
0x29: {  	s4 =	sld [smem:$0x3FAD]  }
0x2a: {  	p0 =	seq.s32 s5, $0x0;
	s5 =	sld [smem:$0x3FAE]  }
0x2b: {  	s6 =	sld [smem:$0x3FAF]  }
0x2c: {  	s7 =	sld [smem:$0x3FB0]  }
0x2d: {  	s3 =	simm.s32 $0x108;
	s8 =	sld [smem:$0x3FB1]  }
0x2e: {  	s3 =	simm.s32 @!p0 $0x1082;
	s9 =	sld [smem:$0x3FB2]  }
0x2f: {  	lr =	sadd.s32 s0, s3;
	s0 =	sld [smem:$0x3FA9]  }
0x30: {  	s3 =	sld [smem:$0x3FAC]  }
0x31: {  	[smem:$0x3FB5] =	sst s10  }
0x32: {  	s10 =	sld [smem:$0x3FB3];
	_ =	sdelay $0x3  }
0x33: {  	p0 =	seq.s32 s10, $0x1;
	s10 =	sld [smem:$0x3FB5];
	_ =	sdelay $0x3  }
0x34: {  	[smem:$0x3FB5] =	sst s10  }
0x35: {  	s10 =	sld [smem:$0x3FB4];
	_ =	sdelay $0x3  }
0x36: {  	p1 =	seq.s32 s10, $0x1;
	s10 =	sld [smem:$0x3FB5];
	_ =	sdelay $0x3  }
0x37: {  	[smem:$0x3FB5] =	sst s10  }
0x38: {  	s10 =	sld [smem:$0x3FB6]  }
0x39: {  	_ = 	snop;
	(pc) =	sbr.ind lr, $3  }
0x3a: {  	_ = 	snop  }
0x3b: {  	_ = 	snop  }
0x3c: {  	p2 =	seq.s32 s10, $0x1;
	s10 =	sld [smem:$0x3FB5]  }
0x3d: {  	_ =	shalt  }
0x3e: {  	_ =	shalt  }
0x3f: {  	_ =	shalt  }
0x40: {  	_ =	shalt  }
0x41: {  	_ =	shalt  }
0x42: {  	_ =	shalt  }
0x43: {  	_ =	shalt  }
0x44: {  	_ =	shalt  }
0x45: {  	_ =	shalt  }
0x46: {  	_ =	shalt  }
0x47: {  	_ =	shalt  }
0x48: {  	_ =	shalt  }
0x49: {  	_ =	shalt  }
0x4a: {  	_ =	shalt  }
0x4b: {  	_ =	shalt  }
0x4c: {  	_ =	shalt  }
0x4d: {  	_ =	shalt  }
0x4e: {  	_ =	shalt  }
0x4f: {  	_ =	shalt  }
0x50: {  	_ =	shalt  }
0x51: {  	_ =	shalt  }
0x52: {  	_ =	shalt  }
0x53: {  	_ =	shalt  }
0x54: {  	_ =	shalt  }
0x55: {  	_ =	shalt  }
0x56: {  	_ =	shalt  }
0x57: {  	_ =	shalt  }
0x58: {  	_ =	shalt  }
0x59: {  	_ =	shalt  }
0x5a: {  	_ =	shalt  }
0x5b: {  	_ =	shalt  }
0x5c: {  	_ =	shalt  }
0x5d: {  	_ =	shalt  }
0x5e: {  	_ =	shalt  }
0x5f: {  	_ =	shalt  }
0x60: {  	_ =	shalt  }
0x61: {  	_ =	shalt  }
0x62: {  	_ =	shalt  }
0x63: {  	_ =	shalt  }
0x64: {  	_ =	shalt  }
0x65: {  	_ =	shalt  }
0x66: {  	_ =	shalt  }
0x67: {  	_ =	shalt  }
0x68: {  	_ =	shalt  }
0x69: {  	_ =	shalt  }
0x6a: {  	_ =	shalt  }
0x6b: {  	_ =	shalt  }
0x6c: {  	_ =	shalt  }
0x6d: {  	_ =	shalt  }
0x6e: {  	_ =	shalt  }
0x6f: {  	_ =	shalt  }
0x70: {  	_ =	shalt  }
0x71: {  	_ =	shalt  }
0x72: {  	_ =	shalt  }
0x73: {  	_ =	shalt  }
0x74: {  	_ =	shalt  }
0x75: {  	_ =	shalt  }
0x76: {  	_ =	shalt  }
0x77: {  	_ =	shalt  }
0x78: {  	_ =	shalt  }
0x79: {  	_ =	shalt  }
0x7a: {  	_ =	shalt  }
0x7b: {  	_ =	shalt  }
0x7c: {  	_ =	shalt  }
0x7d: {  	_ =	shalt  }
0x7e: {  	_ =	shalt  }
0x7f: {  	_ =	shalt  }
0x80: {  	_ =	shalt  }
0x81: {  	_ =	shalt  }
0x82: {  	_ =	shalt  }
0x83: {  	_ =	shalt  }
0x84: {  	_ =	shalt  }
0x85: {  	_ =	shalt  }
0x86: {  	_ =	shalt  }
0x87: {  	_ =	shalt  }
.Lfunc_end0:
.L_simem_size_0:
called_computation.1_lowered:
.L_overlay_start_0:
0x88: {  	s2 =	sld [smem:$0x3FD9]  }
0x89: {  	s3 =	sld [smem:$0x3FFE];
	_ =	sdelay $0x1  }
0x8a: {  	s1 =	srdreg.scid  }
0x8b: {  	s0 =	sand.u32 $0x1, s1  }
0x8c: {  	s17 =	sshll.u32 s0, $0xA;
	s2 =	sadd.s32 s3, s2  }
0x8d: {  	s2 =	sadd.s32 s2, s17  }
0x8e: {  	[smem:$0x3FC1] =	sst s2  }
0x8f: {  	_ = 	snop  }
0x90: {  	s2 =	sld [smem:$0x3FD0];
	(tm) =	ssettm $0x1  }
0x91: {  	s18 =	sld [smem:$0x3FFB];
	_ =	sdelay $0x3  }
0x92: {  	_ =	strace s18  }
0x93: {  	s3 =	sld [smem:$0x3FFC];
	_ =	sdelay $0x3  }
0x94: {  	_ =	strace s3  }
0x95: {  	s3 =	sld [smem:$0x3FFD];
	_ =	sdelay $0x3  }
0x96: {  	_ =	strace s3  }
0x97: {  	_ =	strace $0x8FFFFFFF  }
0x98: {  	s19 =	sld [smem:$0x3FDB];
	_ =	sdelay $0x1  }
0x99: {  	s4 =	simm.s32 $_scs_section_size  }
0x9a: {  	s5 =	simm.s32 $_size__tile_overlayer_lowered;
	s6 =	simm.s32 $_tile_overlayer_lowered  }
0x9b: {  	s22 =	simm.s32 $0x1BFF;
	s21 =	sshll.u32 s6, $0x1;
	s3 =	sadd.s32 s4, s19  }
0x9c: {  	s7 =	simm.s32 $0x0;
	s20 =	sshll.u32 s5, $0x1;
	s5 =	sadd.s32 s21, s3  }
0x9d: {  	[timem:s7], [sflag:s22] =	dma.local [hbm:s5], s20  }
0x9e: {  	_ =	swait.ge [sflag:s22], s20  }
0x9f: {  	s4 =	ssub.s32 $0x0, s20;
	[sflag:s22] =	ssyncset.done $0x0  }
0xa0: {  	[sflag:s22] =	ssyncadd.s32 s4;
	_ =	sdelay $0x1  }
0xa1: {  	s23 =	simm.s32 $0x1B8B  }
0xa2: {  	_ =	swait.ge [sflag:s23], $0x1  }
0xa3: {  	[sflag:s23] =	ssyncset.done $0x0  }
0xa4: {  	s25 =	simm.s32 $0x1B8E;
	s24 =	sld [smem:$0x3FFE];
	[sflag:s23] =	ssyncadd.s32 $0xFFFFFFFF  }
0xa5: {  	s26 =	simm.s32 $execute0_lowered;
	[smem:$0x3FD2] =	sst s25  }
0xa6: {  	s5 =	sshll.u32 s26, $0x1;
	_ =	strace $0x80000049;
	[dreg:$0x1] =	wrdreg $0xFFFFFFFF  }
0xa7: {  	s28 =	simm.s32 $_size_execute0_lowered;
	s3 =	sadd.s32 s3, s5;
	[dreg:$0x0] =	wrdreg $0x0  }
0xa8: {  	s5 =	sshll.u32 s28, $0x1;
	[dreg:$0x2] =	wrdreg s3  }
0xa9: {  	[dreg:$0x3] =	wrdreg s5  }
0xaa: {  	[dreg:$0x4] =	wrdreg $0xC0  }
0xab: {  	_ =	task [dreg:s7], $0x5FFFF  }
0xac: {  	[dreg:$0x1] =	wrdreg $0xFFFFFFFF  }
0xad: {  	[dreg:$0x0] =	wrdreg $0x60  }
0xae: {  	[dreg:$0x2] =	wrdreg s24  }
0xaf: {  	[dreg:$0x3] =	wrdreg s2  }
0xb0: {  	[dreg:$0x4] =	wrdreg $0x9  }
0xb1: {  	_ =	task.clear_ibuf [dreg:s7], $0x5FFFF;
	_ =	strace $0x90000049  }
0xb2: {  	s29 =	simm.s32 $0x9;
	_ =	strace $0x8000004B  }
0xb3: {  	_ =	swait.ge [sflag:s29], $0x1  }
0xb4: {  	[sflag:s29] =	ssyncadd.s32 $0xFFFFFFFF  }
0xb5: {  	_ =	strace $0x9000004B  }
0xb6: {  	_ =	sfence  }
0xb7: {  	s30 =	sld [smem:$0x0];
	_ =	sdelay $0x2  }
0xb8: {  	s31 =	sshll.u32 s1, $0xD;
	s1 =	sshrl.u32 s1, $0x2  }
0xb9: {  	s3 =	sand.u32 $0x4000, s31;
	s1 =	sadd.s32 s1, s30  }
0xba: {  	s0 =	sor.u32 s3, s0;
	s1 =	sshll.u32 s1, $0x11  }
0xbb: {  	s0 =	sor.u32 s1, s0  }
0xbc: {  	s0 =	sadd.s32 $0x8F2B, s0  }
0xbd: {  	[sflag:s0] =	ssyncadd.remote.s32 $0x1  }
0xbe: {  	_ =	sfence.sel $0xFFFF  }
0xbf: {  	[dreg:$0x0] =	wrdreg $0xFFFFFFFF;
	(pc) =	sbr.abs _section_cstart, $3  }
0xc0: {  	[dreg:$0x1] =	wrdreg $0xFFFFFFFF  }
0xc1: {  	_ =	task.clear_ibuf [dreg:s7], $0x2FFFF;
	_ =	strace $0x9FFFFFFF  }
0xc2: {  	(tm) =	ssettm $0x7FFFFFFF  }
0xc3: {  	_ =	shalt  }
tec
execute0_lowered:
.L_overlay_start_1:
0x0: {  	(tag) =	ssettag $0x1  }
0x1: {  	s0 =	rddreg [dreg:$0x0]  }
0x2: {  	s1 =	srdreg.scid;
	s10 =	stileid.u32  }
0x3: {  	s6 =	rddreg [dreg:$0x1];
	s2 =	simm.s32 $0x0;
	s19 =	simm.s32 $0x3  }
0x4: {  	s28 =	simm.s32 $0xC380;
	s29 =	simm.s32 $0x2;
	s30 =	simm.s32 $0x80  }
0x5: {  	s31 =	simm.s32 $0x400;
	s1 =	sand.u32 $0x1, s1;
	s3 =	sshll.u32 s10, $0x1  }
0x6: {  	[smem:$0x7FF] =	sst s2;
	s4 =	sadd.s32 $0x19C00, s0;
	s10 =	sshrl.u32 s10, $0x1  }
0x7: {  	s5 =	sadd.s32 $0x32400, s0;
	s7 =	sor.u32 s1, s3;
	s24 =	smul.u32 $0x61C00, s10  }
0x8: {  	_ =	strace $0x8000004A;
	s1 =	ssub.s32 $0x2, s1;
	s15 =	smul.u32 $0x6, s7  }
0x9: {  	s3 =	sshll.u32 s7, $0x6;
	s22 =	sshrl.u32 s1, $0x1;
	s9 =	smul.u32 $0xBB8, s7  }
0xa: {  	s23 =	smul.u32 $0x5DC0, s7;
	s7 =	sshll.u32 s7, $0x8;
	s8 =	sadd.s32 s3, s0  }
0xb: {  	s3 =	sadd.s32 $0x1400, s0;
	s0 =	ssub.s32 s1, s22;
	s7 =	sand.u32 $0x300, s7  }
0xc: {  	s8 =	sadd.s32 $0x4AC00, s8;
	s25 =	sadd.s32 s3, s9;
	s1 =	sshrl.u32 s23, $0x3  }
0xd: {  	s26 =	sadd.s32 s4, s9;
	s7 =	sor.u32 s24, s7;
	s9 =	sadd.s32 s5, s9  }
0xe: {  	s14 =	sadd.s32 $0x2, s15;
	s15 =	sadd.s32 $0x3, s15;
	[dreg:$0x3] =	wrdreg s8  }
0xf: {  	s17 =	smax.u32 s0, $0x1;
	s23 =	simm.s32 $0x1B900;
	[dreg:$0x4] =	wrdreg s25  }
0x10: {  	s24 =	simm.s32 $0x1C900;
	[dreg:$0x5] =	wrdreg s26;
	s1 =	sadd.s32 $0x1F4, s1  }
0x11: {  	s7 =	sshrl.u32 s7, $0x3;
	s25 =	simm.s32 $0x1D900;
	s26 =	simm.s32 $0x1  }
0x12: {  	s10 =	sadd.s32 s3, s1;
	s11 =	sadd.s32 s4, s1;
	s13 =	sadd.s32 s6, s7  }
0x13: {  	v0 =	vimm.f32 $0.0e+00;
	s12 =	sadd.s32 s5, s1;
	s1 =	simm.s32 $0x0;
	s16 =	sadd.s32 $0x10, s13  }
.LBB2_1:
0x14: {  	s0 =	rddreg [dreg:$0x3];
	s6 =	simm.s32 $0x18700  }
0x15: {  	[tilespmem:s6], [sflag:$0x3] =	stream.linear.gather [hbm4b:s0+s2], $0x200, $0x38;
	[tilespmem:$0x1E900] =	vst v63  }
0x16: {  	_ =	swait.ge [sflag:s19], $0x200  }
0x17: {  	[sflag:s19] =	ssyncset.done $0x0  }
0x18: {  	[sflag:s19] =	ssyncadd.s32 $0xFFFFFE00  }
0x19: {  	v1 =	vld [tilespmem:$0x18700]  }
0x1a: {  	s18 =	simm.s32 $0x18900;
	s8 =	rddreg [dreg:$0x4];
	v2 =	vld [tilespmem:$0x18780]  }
0x1b: {  	v3 =	vld [tilespmem:$0x18800];
	[tilespmem:s18], [sflag:$0x1] =	stream.linear.gather [hbm4b:s8+s2], $0xFA0, $0x38  }
0x1c: {  	s21 =	simm.s32 $0x19900;
	s20 =	rddreg [dreg:$0x5]  }
0x1d: {  	[tilespmem:s21], [sflag:$0x1] =	stream.linear.gather [hbm4b:s20+s2], $0xFA0, $0x38;
	[tilespmem:$0x1E900] =	vst v63  }
0x1e: {  	s22 =	simm.s32 $0x1A900  }
0x1f: {  	[tilespmem:s22], [sflag:$0x1] =	stream.linear.gather [hbm4b:s9+s2], $0xFA0, $0x38;
	[tilespmem:$0x1E900] =	vst v63  }
0x20: {  	_ = 	snop  }
0x21: {  	[tilespmem:s23], [sflag:$0x2] =	stream.linear.gather [hbm4b:s10+s2], $0xFA0, $0x38;
	[tilespmem:$0x1E900] =	vst v63  }
0x22: {  	_ = 	snop  }
0x23: {  	[tilespmem:s24], [sflag:$0x2] =	stream.linear.gather [hbm4b:s11+s2], $0xFA0, $0x38;
	[tilespmem:$0x1E900] =	vst v63  }
0x24: {  	s6 =	simm.s32 $0x40  }
0x25: {  	[tilespmem:s25], [sflag:$0x2] =	stream.linear.gather [hbm4b:s12+s2], $0xFA0, $0x38;
	[tilespmem:$0x1E900] =	vst v63  }
0x26: {  	[tilespmem:s6+$0x30] =	vst v0  }
0x27: {  	[tilespmem:s6+$0xFFFFFFF0] =	vst v0  }
0x28: {  	[tilespmem:s6+$0xFFFFFFC0] =	vst v0  }
0x29: {  	[tilespmem:s6+$0xFFFFFFE0] =	vst v0  }
0x2a: {  	[tilespmem:s6+$0x10] =	vst v0  }
0x2b: {  	[tilespmem:s6+$0x20] =	vst v0  }
0x2c: {  	[tilespmem:s6+$0x0] =	vst v0  }
0x2d: {  	s7 =	simm.s32 $0xC3C0;
	[tilespmem:s6+$0xFFFFFFD0] =	vst v0  }
0x2e: {  	[tilespmem:s7+$0xFFFFFFC0] =	vst v0  }
0x2f: {  	[tilespmem:s7+$0x30] =	vst v0  }
0x30: {  	[tilespmem:s7+$0x20] =	vst v0  }
0x31: {  	[tilespmem:s7+$0x10] =	vst v0  }
0x32: {  	[tilespmem:s7+$0xFFFFFFE0] =	vst v0  }
0x33: {  	[tilespmem:s7+$0x0] =	vst v0  }
0x34: {  	s8 =	simm.s32 $0x0;
	[tilespmem:s7+$0xFFFFFFF0] =	vst v0  }
.LBB2_2:
0x35: {  	s8 =	sadd.s32 $0x8, s8;
	[tilespmem:s7+$0xFFFFFFD0] =	vst v0;
	s6 =	sadd.s32 $0x80, s6;
	s7 =	sadd.s32 $0x80, s7  }
0x36: {  	[tilespmem:s6+$0x30] =	vst v0;
	p0 =	slt.u32 s8, $0xC28  }
0x37: {  	[tilespmem:s6+$0xFFFFFFF0] =	vst v0  }
0x38: {  	[tilespmem:s6+$0xFFFFFFC0] =	vst v0  }
0x39: {  	[tilespmem:s7+$0xFFFFFFC0] =	vst v0  }
0x3a: {  	[tilespmem:s7+$0x30] =	vst v0  }
0x3b: {  	[tilespmem:s6+$0xFFFFFFE0] =	vst v0  }
0x3c: {  	[tilespmem:s6+$0x10] =	vst v0  }
0x3d: {  	[tilespmem:s6+$0x20] =	vst v0  }
0x3e: {  	[tilespmem:s7+$0x20] =	vst v0  }
0x3f: {  	[tilespmem:s7+$0x10] =	vst v0  }
.Ltmp0:
0x40: {  	[tilespmem:s7+$0xFFFFFFE0] =	vst v0;
	(pc) =	sbr.rel @p0 .LBB2_2-.Ltmp0, $4  }
0x41: {  	[tilespmem:s6+$0x0] =	vst v0  }
0x42: {  	[tilespmem:s7+$0x0] =	vst v0  }
0x43: {  	[tilespmem:s7+$0xFFFFFFF0] =	vst v0  }
0x44: {  	s0 =	simm.s32 $0x0;
	[tilespmem:s6+$0xFFFFFFD0] =	vst v0  }
0x45: {  	[tilespmem:s7+$0xFFFFFFD0] =	vst v0;
	s6 =	simm.s32 $0x0  }
.LBB2_4:
0x46: {  	p0 =	sne.s32 s6, $0x140  }
.Ltmp1:
0x47: {  	_ = 	snop;
	(pc) =	sbr.rel @p0 .LBB2_4-.Ltmp1, $4  }
0x48: {  	_ = 	snop  }
0x49: {  	s7 =	sshra.s32 s6, $0x2  }
0x4a: {  	[tilespmem:s7+$0xC300] =	vst v0  }
0x4b: {  	s6 =	sadd.s32 $0x40, s6;
	[tilespmem:s7+$0x18680] =	vst v0  }
.Ltmp2:
0x4c: {  	_ = 	snop;
	(pc) =	sbr.rel .LBB2_5-.Ltmp2, $1  }
0x4d: {  	_ =	sdelay $0x3  }
.LBB2_14:
0x4e: {  	s6 =	sadd.s32 s18, s15  }
0x4f: {  	s7 =	sadd.s32 $0xFFFFFF38, s6  }
0x50: {  	s6 =	smin.u32 s7, s6  }
0x51: {  	s6 =	smul.u32 $0xFA0, s6;
	_ =	sdelay $0x1  }
0x52: {  	s6 =	sshrl.u32 s6, $0x3  }
0x53: {  	s21 =	sadd.s32 s3, s6  }
0x54: {  	[tilespmem:s23], [sflag:$0x2] =	stream.linear.gather [hbm4b:s21+s2], $0xFA0, $0x38;
	[tilespmem:$0x1E900] =	vst v63  }
0x55: {  	s22 =	sadd.s32 s4, s6  }
0x56: {  	[tilespmem:s24], [sflag:$0x2] =	stream.linear.gather [hbm4b:s22+s2], $0xFA0, $0x38;
	[tilespmem:$0x1E900] =	vst v63  }
0x57: {  	s0 =	sadd.s32 $0x1, s0;
	s6 =	sadd.s32 s5, s6  }
0x58: {  	[tilespmem:s25], [sflag:$0x2] =	stream.linear.gather [hbm4b:s6+s2], $0xFA0, $0x38;
	[tilespmem:$0x1E900] =	vst v63  }
.LBB2_5:
0x59: {  	_ =	swait.ge [sflag:s26], $0xFA0  }
0x5a: {  	[sflag:s26] =	ssyncset.done $0x0  }
0x5b: {  	[sflag:s26] =	ssyncadd.s32 $0xFFFFF060  }
0x5c: {  	_ =	swait.ge [sflag:s26], $0xFA0  }
0x5d: {  	[sflag:s26] =	ssyncset.done $0x0  }
0x5e: {  	[sflag:s26] =	ssyncadd.s32 $0xFFFFF060  }
0x5f: {  	_ =	swait.ge [sflag:s26], $0xFA0  }
0x60: {  	[sflag:s26] =	ssyncset.done $0x0  }
0x61: {  	s6 =	simm.s32 $0x19940;
	[sflag:s26] =	ssyncadd.s32 $0xFFFFF060  }
0x62: {  	s18 =	simm.s32 $0x1A940;
	v4 =	vld [tilespmem:s6+$0x30]  }
0x63: {  	v5 =	vld [tilespmem:s18+$0x30]  }
0x64: {  	v6 =	vld [tilespmem:s6+$0xFFFFFFC0]  }
0x65: {  	v7 =	vld [tilespmem:s18+$0xFFFFFFC0]  }
0x66: {  	v8 =	vld [tilespmem:s6+$0xFFFFFFD0]  }
0x67: {  	v10 =	vld [tilespmem:s6+$0xFFFFFFE0]  }
0x68: {  	v15 =	vld [tilespmem:s18+$0xFFFFFFF0]  }
0x69: {  	v16 =	vld [tilespmem:s6+$0x0]  }
0x6a: {  	v17 =	vld [tilespmem:s18+$0x0];
	v4 =	vmul.f32 v4, v1;
	v11 =	vmul.f32 v5, v2  }
0x6b: {  	v18 =	vld [tilespmem:s6+$0x10];
	v5 =	vmul.f32 v5, v3;
	v6 =	vmul.f32 v6, v1  }
0x6c: {  	v19 =	vld [tilespmem:s18+$0x10];
	v13 =	vmul.f32 v7, v2;
	v7 =	vmul.f32 v7, v3  }
0x6d: {  	v9 =	vld [tilespmem:s18+$0xFFFFFFD0];
	v8 =	vmul.f32 v8, v1;
	v10 =	vmul.f32 v10, v1  }
0x6e: {  	v20 =	vmul.f32 v15, v2;
	v15 =	vmul.f32 v15, v3  }
0x6f: {  	v16 =	vmul.f32 v16, v1;
	v22 =	vmul.f32 v17, v2  }
0x70: {  	v21 =	vld [tilespmem:s18+$0x20];
	v17 =	vmul.f32 v17, v3;
	v18 =	vmul.f32 v18, v1  }
0x71: {  	v23 =	vmul.f32 v19, v2;
	v19 =	vmul.f32 v19, v3;
	v11 =	vadd.f32 v11, v4  }
0x72: {  	v12 =	vld [tilespmem:s18+$0xFFFFFFE0];
	v4 =	vadd.f32 v5, v4;
	v5 =	vmul.f32 v9, v2;
	v13 =	vadd.f32 v13, v6  }
0x73: {  	v9 =	vmul.f32 v9, v3;
	v6 =	vadd.f32 v7, v6;
	v61 =	vadd.f32 v22, v16  }
0x74: {  	v14 =	vld [tilespmem:s6+$0xFFFFFFF0];
	v11 =	vmul.f32 $1.442695020e+00, v11;
	v4 =	vmul.f32 $1.442695020e+00, v4;
	v5 =	vadd.f32 v5, v8  }
0x75: {  	v7 =	vmul.f32 $1.442695020e+00, v13;
	v8 =	vadd.f32 v9, v8;
	v9 =	vmul.f32 v21, v2  }
0x76: {  	v16 =	vadd.f32 v17, v16;
	v6 =	vmul.f32 $1.442695020e+00, v6;
	v17 =	vmul.f32 $1.442695020e+00, v61  }
0x77: {  	(erf) = vpow2.f32 v11;
	v11 =	vmul.f32 v12, v2  }
0x78: {  	v5 =	vmul.f32 $1.442695020e+00, v5;
	(erf) = vpow2.f32 v4  }
0x79: {  	s21 =	simm.s32 $0x18940;
	v4 =	vmul.f32 v12, v3;
	v12 =	vmul.f32 v14, v1;
	v14 =	vld [tilespmem:s6+$0x20]  }
0x7a: {  	v60 =	vld [tilespmem:s21+$0x30];
	v8 =	vmul.f32 $1.442695020e+00, v8;
	v11 =	vadd.f32 v11, v10;
	(erf) = vpow2.f32 v7  }
0x7b: {  	v10 =	vadd.f32 v4, v10;
	v7 =	vadd.f32 v20, v12;
	(erf) = vpow2.f32 v6  }
0x7c: {  	v4 =	vld [tilespmem:s21+$0xFFFFFFD0];
	v11 =	vmul.f32 $1.442695020e+00, v11;
	(erf) = vpow2.f32 v5  }
0x7d: {  	v12 =	vadd.f32 v15, v12;
	v15 =	vmul.f32 $1.442695020e+00, v10;
	v10 =	vld [tilespmem:s21+$0xFFFFFFC0];
	v62 =	vmul.f32 $1.442695020e+00, v7  }
0x7e: {  	v6 =	vld [tilespmem:s21+$0xFFFFFFF0];
	(erf) = vpow2.f32 v8;
	v13 =	vmul.f32 v14, v1  }
0x7f: {  	v5 =	vld [tilespmem:s21+$0xFFFFFFE0];
	v14 =	vmul.f32 v21, v3;
	(erf) = vpow2.f32 v11;
	v11 =	vadd.f32 v23, v18  }
0x80: {  	v12 =	vmul.f32 $1.442695020e+00, v12;
	v7 =	vld [tilespmem:s21+$0x0];
	(erf) = vpow2.f32 v15;
	v15 =	vadd.f32 v19, v18  }
0x81: {  	s20 =	simm.s32 $0x0;
	v8 =	vld [tilespmem:s21+$0x10];
	v63 =	vmul.f32 $1.442695020e+00, v11;
	v11 =	vadd.f32 v14, v13;
	v18 =	vpop (erf);
	(erf) = vpow2.f32 v62  }
0x82: {  	v19 =	vmul.f32 $1.442695020e+00, v16;
	[tilespmem:v60+s20+$0x0] =	vst.idx.add.f32.msk $0xffff, v18;
	v16 =	vpop (erf);
	(erf) = vpow2.f32 v12  }
0x83: {  	v18 =	vadd.f32 v9, v13;
	v9 =	vld [tilespmem:s21+$0x20];
	v14 =	vmul.f32 $1.442695020e+00, v11;
	(erf) = vpow2.f32 v17  }
0x84: {  	[tilespmem:v60+s28+$0x0] =	vst.idx.add.f32.msk $0xffff, v16;
	v16 =	vmul.f32 $1.442695020e+00, v15;
	v12 =	vpop (erf);
	(erf) = vpow2.f32 v19  }
0x85: {  	s7 =	simm.s32 $0x199C0;
	s22 =	simm.s32 $0x0;
	s6 =	simm.s32 $0x0;
	v15 =	vmul.f32 $1.442695020e+00, v18;
	v11 =	vpop (erf);
	[tilespmem:v10+s20+$0x0] =	vst.idx.add.f32.msk $0xffff, v12;
	(erf) = vpow2.f32 v63  }
.LBB2_6:
0x86: {  	v17 =	vld [tilespmem:s7+$0x30];
	s18 =	sadd.s32 $0x80, s18;
	v12 =	vpop (erf);
	(erf) = vpow2.f32 v16  }
0x87: {  	v16 =	vld [tilespmem:s18+$0x30];
	v13 =	vpop (erf);
	(erf) = vpow2.f32 v15  }
0x88: {  	s6 =	sadd.s32 $0x8, s6;
	v15 =	vld [tilespmem:s7+$0xFFFFFFC0];
	v18 =	vpop (erf);
	(erf) = vpow2.f32 v14  }
0x89: {  	p0 =	slt.u32 s6, $0xF0;
	v14 =	vld [tilespmem:s18+$0xFFFFFFC0];
	v19 =	vpop (erf)  }
0x8a: {  	v20 =	vld [tilespmem:s7+$0xFFFFFFD0];
	v21 =	vpop (erf)  }
0x8b: {  	v22 =	vld [tilespmem:s18+$0xFFFFFFD0];
	v23 =	vpop (erf)  }
0x8c: {  	v33 =	vmul.f32 v17, v1;
	v24 =	vld [tilespmem:s7+$0xFFFFFFE0];
	v25 =	vmul.f32 v16, v2;
	v26 =	vpop (erf)  }
0x8d: {  	v16 =	vmul.f32 v16, v3;
	v15 =	vmul.f32 v15, v1;
	v27 =	vld [tilespmem:s18+$0xFFFFFFE0];
	v28 =	vpop (erf)  }
0x8e: {  	v29 =	vmul.f32 v14, v2;
	v14 =	vmul.f32 v14, v3;
	v30 =	vld [tilespmem:s7+$0xFFFFFFF0];
	v25 =	vadd.f32 v25, v33;
	v31 =	vpop (erf)  }
0x8f: {  	v16 =	vadd.f32 v16, v33;
	v20 =	vmul.f32 v20, v1;
	v32 =	vld [tilespmem:s18+$0xFFFFFFF0];
	v17 =	vpop (erf)  }
0x90: {  	v29 =	vadd.f32 v29, v15;
	v33 =	vmul.f32 v22, v2;
	v34 =	vld [tilespmem:s7+$0x0];
	v25 =	vmul.f32 $1.442695020e+00, v25;
	v35 =	vpop (erf)  }
0x91: {  	v14 =	vadd.f32 v14, v15;
	v15 =	vmul.f32 v22, v3;
	v16 =	vmul.f32 $1.442695020e+00, v16;
	v22 =	vld [tilespmem:s18+$0x0];
	v36 =	vpop (erf)  }
0x92: {  	v24 =	vmul.f32 v24, v1;
	v33 =	vadd.f32 v33, v20;
	v37 =	vld [tilespmem:s7+$0x10];
	(erf) = vpow2.f32 v25  }
0x93: {  	s21 =	sadd.s32 $0x80, s21;
	v15 =	vadd.f32 v15, v20;
	v20 =	vmul.f32 v27, v2;
	v25 =	vld [tilespmem:s18+$0x10];
	(erf) = vpow2.f32 v16  }
0x94: {  	v16 =	vmul.f32 v27, v3;
	v27 =	vmul.f32 v30, v1;
	v30 =	vld [tilespmem:s21+$0x30]  }
0x95: {  	v20 =	vadd.f32 v20, v24;
	v38 =	vmul.f32 v32, v2;
	v32 =	vmul.f32 v32, v3;
	v39 =	vld [tilespmem:s7+$0x20]  }
0x96: {  	v16 =	vadd.f32 v16, v24;
	v24 =	vmul.f32 v34, v1;
	v34 =	vmul.f32 v22, v2;
	v40 =	vld [tilespmem:s18+$0x20]  }
0x97: {  	v38 =	vadd.f32 v38, v27;
	v22 =	vmul.f32 v22, v3;
	v41 =	vld [tilespmem:s21+$0xFFFFFFD0];
	v37 =	vmul.f32 v37, v1  }
0x98: {  	v27 =	vadd.f32 v32, v27;
	v42 =	vld [tilespmem:s21+$0xFFFFFFE0];
	v32 =	vmul.f32 v25, v2;
	v25 =	vmul.f32 v25, v3  }
0x99: {  	v29 =	vmul.f32 $1.442695020e+00, v29;
	v34 =	vadd.f32 v34, v24;
	v22 =	vadd.f32 v22, v24;
	v43 =	vld [tilespmem:s21+$0xFFFFFFF0]  }
0x9a: {  	v24 =	vld [tilespmem:s21+$0x0];
	v32 =	vadd.f32 v32, v37;
	v25 =	vadd.f32 v25, v37;
	v37 =	vmul.f32 v39, v1  }
0x9b: {  	v39 =	vld [tilespmem:s21+$0x10];
	v44 =	vmul.f32 v40, v2;
	v40 =	vmul.f32 v40, v3;
	v45 =	vpop (erf)  }
0x9c: {  	v46 =	vmul.f32 $1.442695020e+00, v14;
	v33 =	vmul.f32 $1.442695020e+00, v33;
	[tilespmem:v30+s20+$0x0] =	vst.idx.add.f32.msk $0xffff, v45;
	v14 =	vpop (erf)  }
0x9d: {  	v45 =	vmul.f32 $1.442695020e+00, v15;
	v15 =	vadd.f32 v44, v37;
	v37 =	vadd.f32 v40, v37;
	[tilespmem:v30+s28+$0x0] =	vst.idx.add.f32.msk $0xffff, v14  }
0x9e: {  	v20 =	vmul.f32 $1.442695020e+00, v20;
	v30 =	vmul.f32 $1.442695020e+00, v16;
	v40 =	vld [tilespmem:s21+$0x20]  }
0x9f: {  	v38 =	vmul.f32 $1.442695020e+00, v38;
	v27 =	vmul.f32 $1.442695020e+00, v27;
	v44 =	vld [tilespmem:s21+$0xFFFFFFC0]  }
0xa0: {  	v34 =	vmul.f32 $1.442695020e+00, v34;
	v22 =	vmul.f32 $1.442695020e+00, v22;
	[tilespmem:v10+s28+$0x0] =	vst.idx.add.f32.msk $0xffff, v11  }
0xa1: {  	v32 =	vmul.f32 $1.442695020e+00, v32;
	v16 =	vmul.f32 $1.442695020e+00, v25;
	[tilespmem:v4+s22+$0x0] =	vst.idx.add.f32.msk $0xffff, v12  }
0xa2: {  	v15 =	vmul.f32 $1.442695020e+00, v15;
	v14 =	vmul.f32 $1.442695020e+00, v37;
	[tilespmem:v4+s28+$0x0] =	vst.idx.add.f32.msk $0xffff, v13;
	v4 =	vmov v41  }
0xa3: {  	(erf) = vpow2.f32 v29;
	[tilespmem:v5+s22+$0x0] =	vst.idx.add.f32.msk $0xffff, v18  }
0xa4: {  	(erf) = vpow2.f32 v46;
	[tilespmem:v5+s28+$0x0] =	vst.idx.add.f32.msk $0xffff, v19;
	v5 =	vmov v42;
	v10 =	vmov v44  }
0xa5: {  	(erf) = vpow2.f32 v33;
	[tilespmem:v6+s22+$0x0] =	vst.idx.add.f32.msk $0xffff, v21  }
0xa6: {  	(erf) = vpow2.f32 v45;
	[tilespmem:v6+s28+$0x0] =	vst.idx.add.f32.msk $0xffff, v23;
	v6 =	vmov v43  }
0xa7: {  	(erf) = vpow2.f32 v20;
	[tilespmem:v7+s22+$0x0] =	vst.idx.add.f32.msk $0xffff, v26  }
0xa8: {  	(erf) = vpow2.f32 v30;
	[tilespmem:v7+s28+$0x0] =	vst.idx.add.f32.msk $0xffff, v28;
	v7 =	vmov v24  }
.Ltmp3:
0xa9: {  	(erf) = vpow2.f32 v38;
	[tilespmem:v8+s22+$0x0] =	vst.idx.add.f32.msk $0xffff, v31;
	(pc) =	sbr.rel @p0 .LBB2_6-.Ltmp3, $4  }
0xaa: {  	(erf) = vpow2.f32 v27;
	[tilespmem:v8+s28+$0x0] =	vst.idx.add.f32.msk $0xffff, v17;
	v8 =	vmov v39  }
0xab: {  	(erf) = vpow2.f32 v34;
	[tilespmem:v9+s22+$0x0] =	vst.idx.add.f32.msk $0xffff, v35;
	s22 =	smov.u32 s20  }
0xac: {  	v11 =	vpop (erf);
	(erf) = vpow2.f32 v22;
	[tilespmem:v9+s28+$0x0] =	vst.idx.add.f32.msk $0xffff, v36;
	v9 =	vmov v40  }
0xad: {  	s7 =	sadd.s32 $0x80, s7;
	[tilespmem:v44+s22+$0x0] =	vst.idx.add.f32.msk $0xffff, v11;
	v11 =	vpop (erf);
	(erf) = vpow2.f32 v32  }
0xae: {  	_ =	sdelay $0x3  }
0xaf: {  	v12 =	vpop (erf);
	(erf) = vpow2.f32 v16;
	[tilespmem:v10+s28+$0x0] =	vst.idx.add.f32.msk $0xffff, v11  }
0xb0: {  	v61 =	vpop (erf);
	(erf) = vpow2.f32 v15;
	[tilespmem:v4+s22+$0x0] =	vst.idx.add.f32.msk $0xffff, v12  }
0xb1: {  	v62 =	vpop (erf);
	(erf) = vpow2.f32 v14;
	[tilespmem:v4+s28+$0x0] =	vst.idx.add.f32.msk $0xffff, v61  }
0xb2: {  	v4 =	vpop (erf);
	[tilespmem:v5+s22+$0x0] =	vst.idx.add.f32.msk $0xffff, v62  }
0xb3: {  	v63 =	vpop (erf);
	[tilespmem:v5+s28+$0x0] =	vst.idx.add.f32.msk $0xffff, v4  }
0xb4: {  	v4 =	vpop (erf);
	[tilespmem:v6+s22+$0x0] =	vst.idx.add.f32.msk $0xffff, v63  }
0xb5: {  	v5 =	vpop (erf);
	[tilespmem:v6+s28+$0x0] =	vst.idx.add.f32.msk $0xffff, v4  }
0xb6: {  	v4 =	vpop (erf);
	[tilespmem:v7+s22+$0x0] =	vst.idx.add.f32.msk $0xffff, v5  }
0xb7: {  	v5 =	vpop (erf);
	[tilespmem:v7+s28+$0x0] =	vst.idx.add.f32.msk $0xffff, v4  }
0xb8: {  	v4 =	vpop (erf);
	[tilespmem:v8+s22+$0x0] =	vst.idx.add.f32.msk $0xffff, v5  }
0xb9: {  	v5 =	vpop (erf);
	[tilespmem:v8+s28+$0x0] =	vst.idx.add.f32.msk $0xffff, v4  }
0xba: {  	v4 =	vpop (erf);
	[tilespmem:v9+s22+$0x0] =	vst.idx.add.f32.msk $0xffff, v5  }
0xbb: {  	[tilespmem:v9+s28+$0x0] =	vst.idx.add.f32.msk $0xffff, v4  }
.LBB2_8:
0xbc: {  	s6 =	sshra.s32 s20, $0x2  }
0xbd: {  	v4 =	vld [tilespmem:s6+$0x1A880]  }
0xbe: {  	v5 =	vld [tilespmem:s6+$0x1B880];
	_ =	sdelay $0x4  }
0xbf: {  	v4 =	vmul.f32 v4, v1;
	v6 =	vmul.f32 v5, v2  }
0xc0: {  	v5 =	vmul.f32 v5, v3  }
0xc1: {  	v6 =	vadd.f32 v6, v4  }
0xc2: {  	v4 =	vadd.f32 v5, v4  }
0xc3: {  	v5 =	vmul.f32 $1.442695020e+00, v6  }
0xc4: {  	v4 =	vmul.f32 $1.442695020e+00, v4  }
0xc5: {  	(erf) = vpow2.f32 v5  }
0xc6: {  	(erf) = vpow2.f32 v4  }
0xc7: {  	v4 =	vld [tilespmem:s6+$0x19880];
	_ =	sdelay $0x3  }
0xc8: {  	p0 =	sne.s32 s20, $0x40  }
.Ltmp4:
0xc9: {  	_ = 	snop;
	(pc) =	sbr.rel @p0 .LBB2_8-.Ltmp4, $4  }
0xca: {  	_ = 	snop  }
0xcb: {  	v5 =	vpop (erf)  }
0xcc: {  	v63 =	vpop (erf);
	[tilespmem:v4+s2+$0x0] =	vst.idx.add.f32.msk $0xffff, v5  }
0xcd: {  	s20 =	sadd.s32 $0x40, s20;
	[tilespmem:v4+s28+$0x0] =	vst.idx.add.f32.msk $0xffff, v63  }
0xce: {  	s18 =	sshll.u32 s0, $0x1;
	p0 =	seq.s32 s0, $0x63  }
0xcf: {  	s6 =	sadd.s32 @!p0 s18, s14  }
0xd0: {  	s7 =	sadd.s32 @!p0 $0xFFFFFF38, s6  }
0xd1: {  	s6 =	smin.u32 @!p0 s7, s6  }
0xd2: {  	s6 =	smul.u32 @!p0 $0xFA0, s6;
	_ =	sdelay $0x1  }
0xd3: {  	s6 =	sshrl.u32 @!p0 s6, $0x3  }
0xd4: {  	s8 =	simm.s32 @!p0 $0x0;
	s20 =	simm.s32 @!p0 $0x18900;
	s7 =	sadd.s32 @!p0 s3, s6  }
0xd5: {  	[tilespmem:s20], [sflag:$0x1] =	stream.linear.gather @!p0 [hbm4b:s7+s8], $0xFA0, $0x38;
	[tilespmem:$0x1E900] =	vst v63  }
0xd6: {  	s7 =	sadd.s32 @!p0 s4, s6;
	s20 =	simm.s32 @!p0 $0x19900  }
0xd7: {  	[tilespmem:s20], [sflag:$0x1] =	stream.linear.gather @!p0 [hbm4b:s7+s8], $0xFA0, $0x38;
	[tilespmem:$0x1E900] =	vst v63  }
0xd8: {  	s6 =	sadd.s32 @!p0 s5, s6;
	s7 =	simm.s32 @!p0 $0x1A900  }
0xd9: {  	[tilespmem:s7], [sflag:$0x1] =	stream.linear.gather @!p0 [hbm4b:s6+s8], $0xFA0, $0x38;
	[tilespmem:$0x1E900] =	vst v63  }
0xda: {  	_ =	swait.ge [sflag:s29], $0xFA0  }
0xdb: {  	[sflag:s29] =	ssyncset.done $0x0  }
0xdc: {  	[sflag:s29] =	ssyncadd.s32 $0xFFFFF060  }
0xdd: {  	_ =	swait.ge [sflag:s29], $0xFA0  }
0xde: {  	[sflag:s29] =	ssyncset.done $0x0  }
0xdf: {  	[sflag:s29] =	ssyncadd.s32 $0xFFFFF060  }
0xe0: {  	_ =	swait.ge [sflag:s29], $0xFA0  }
0xe1: {  	[sflag:s29] =	ssyncset.done $0x0  }
0xe2: {  	s22 =	simm.s32 $0x1C940;
	[sflag:s29] =	ssyncadd.s32 $0xFFFFF060  }
0xe3: {  	s20 =	simm.s32 $0x1D940;
	v4 =	vld [tilespmem:s22+$0x30]  }
0xe4: {  	v5 =	vld [tilespmem:s20+$0x30]  }
0xe5: {  	v6 =	vld [tilespmem:s22+$0xFFFFFFC0]  }
0xe6: {  	v7 =	vld [tilespmem:s20+$0xFFFFFFC0]  }
0xe7: {  	v8 =	vld [tilespmem:s22+$0xFFFFFFD0]  }
0xe8: {  	v10 =	vld [tilespmem:s22+$0xFFFFFFE0]  }
0xe9: {  	v15 =	vld [tilespmem:s20+$0xFFFFFFF0]  }
0xea: {  	v16 =	vld [tilespmem:s22+$0x0]  }
0xeb: {  	v17 =	vld [tilespmem:s20+$0x0];
	v4 =	vmul.f32 v4, v1;
	v11 =	vmul.f32 v5, v2  }
0xec: {  	v18 =	vld [tilespmem:s22+$0x10];
	v5 =	vmul.f32 v5, v3;
	v6 =	vmul.f32 v6, v1  }
0xed: {  	v19 =	vld [tilespmem:s20+$0x10];
	v13 =	vmul.f32 v7, v2;
	v7 =	vmul.f32 v7, v3  }
0xee: {  	v9 =	vld [tilespmem:s20+$0xFFFFFFD0];
	v8 =	vmul.f32 v8, v1;
	v10 =	vmul.f32 v10, v1  }
0xef: {  	v20 =	vmul.f32 v15, v2;
	v15 =	vmul.f32 v15, v3  }
0xf0: {  	v16 =	vmul.f32 v16, v1;
	v22 =	vmul.f32 v17, v2  }
0xf1: {  	v21 =	vld [tilespmem:s20+$0x20];
	v17 =	vmul.f32 v17, v3;
	v18 =	vmul.f32 v18, v1  }
0xf2: {  	v23 =	vmul.f32 v19, v2;
	v19 =	vmul.f32 v19, v3;
	v11 =	vadd.f32 v11, v4  }
0xf3: {  	v12 =	vld [tilespmem:s20+$0xFFFFFFE0];
	v4 =	vadd.f32 v5, v4;
	v5 =	vmul.f32 v9, v2;
	v13 =	vadd.f32 v13, v6  }
0xf4: {  	v9 =	vmul.f32 v9, v3;
	v6 =	vadd.f32 v7, v6;
	v61 =	vadd.f32 v22, v16  }
0xf5: {  	v14 =	vld [tilespmem:s22+$0xFFFFFFF0];
	v11 =	vmul.f32 $1.442695020e+00, v11;
	v4 =	vmul.f32 $1.442695020e+00, v4;
	v5 =	vadd.f32 v5, v8  }
0xf6: {  	v7 =	vmul.f32 $1.442695020e+00, v13;
	v8 =	vadd.f32 v9, v8;
	v9 =	vmul.f32 v21, v2  }
0xf7: {  	v16 =	vadd.f32 v17, v16;
	v6 =	vmul.f32 $1.442695020e+00, v6;
	v17 =	vmul.f32 $1.442695020e+00, v61  }
0xf8: {  	(erf) = vpow2.f32 v11;
	v11 =	vmul.f32 v12, v2  }
0xf9: {  	v5 =	vmul.f32 $1.442695020e+00, v5;
	(erf) = vpow2.f32 v4  }
0xfa: {  	v4 =	vmul.f32 v12, v3;
	v12 =	vmul.f32 v14, v1;
	v14 =	vld [tilespmem:s22+$0x20];
	s22 =	simm.s32 $0x1B940  }
0xfb: {  	v8 =	vmul.f32 $1.442695020e+00, v8;
	v60 =	vld [tilespmem:s22+$0x30];
	v11 =	vadd.f32 v11, v10;
	(erf) = vpow2.f32 v7  }
0xfc: {  	v10 =	vadd.f32 v4, v10;
	v7 =	vadd.f32 v20, v12;
	(erf) = vpow2.f32 v6  }
0xfd: {  	v4 =	vld [tilespmem:s22+$0xFFFFFFD0];
	v11 =	vmul.f32 $1.442695020e+00, v11;
	(erf) = vpow2.f32 v5  }
0xfe: {  	v12 =	vadd.f32 v15, v12;
	v15 =	vmul.f32 $1.442695020e+00, v10;
	v10 =	vld [tilespmem:s22+$0xFFFFFFC0];
	v62 =	vmul.f32 $1.442695020e+00, v7  }
0xff: {  	v6 =	vld [tilespmem:s22+$0xFFFFFFF0];
	(erf) = vpow2.f32 v8;
	v13 =	vmul.f32 v14, v1  }
0x100: {  	v5 =	vld [tilespmem:s22+$0xFFFFFFE0];
	v14 =	vmul.f32 v21, v3;
	(erf) = vpow2.f32 v11;
	v11 =	vadd.f32 v23, v18  }
0x101: {  	v12 =	vmul.f32 $1.442695020e+00, v12;
	v7 =	vld [tilespmem:s22+$0x0];
	(erf) = vpow2.f32 v15;
	v15 =	vadd.f32 v19, v18  }
0x102: {  	s21 =	simm.s32 $0x0;
	v8 =	vld [tilespmem:s22+$0x10];
	v63 =	vmul.f32 $1.442695020e+00, v11;
	v11 =	vadd.f32 v14, v13;
	v18 =	vpop (erf);
	(erf) = vpow2.f32 v62  }
0x103: {  	v19 =	vmul.f32 $1.442695020e+00, v16;
	[tilespmem:v60+s21+$0x0] =	vst.idx.add.f32.msk $0xffff, v18;
	v16 =	vpop (erf);
	(erf) = vpow2.f32 v12  }
0x104: {  	v18 =	vadd.f32 v9, v13;
	v9 =	vld [tilespmem:s22+$0x20];
	v14 =	vmul.f32 $1.442695020e+00, v11;
	(erf) = vpow2.f32 v17  }
0x105: {  	[tilespmem:v60+s28+$0x0] =	vst.idx.add.f32.msk $0xffff, v16;
	v16 =	vmul.f32 $1.442695020e+00, v15;
	v12 =	vpop (erf);
	(erf) = vpow2.f32 v19  }
0x106: {  	s7 =	simm.s32 $0x0;
	s8 =	simm.s32 $0x1C9C0;
	s6 =	simm.s32 $0x0;
	v15 =	vmul.f32 $1.442695020e+00, v18;
	v11 =	vpop (erf);
	[tilespmem:v10+s21+$0x0] =	vst.idx.add.f32.msk $0xffff, v12;
	(erf) = vpow2.f32 v63  }
.LBB2_10:
0x107: {  	v17 =	vld [tilespmem:s8+$0x30];
	s20 =	sadd.s32 $0x80, s20;
	v12 =	vpop (erf);
	(erf) = vpow2.f32 v16  }
0x108: {  	v16 =	vld [tilespmem:s20+$0x30];
	v13 =	vpop (erf);
	(erf) = vpow2.f32 v15  }
0x109: {  	s7 =	sadd.s32 $0x8, s7;
	v15 =	vld [tilespmem:s8+$0xFFFFFFC0];
	v18 =	vpop (erf);
	(erf) = vpow2.f32 v14  }
0x10a: {  	p1 =	slt.u32 s7, $0xF0;
	v14 =	vld [tilespmem:s20+$0xFFFFFFC0];
	v19 =	vpop (erf)  }
0x10b: {  	v20 =	vld [tilespmem:s8+$0xFFFFFFD0];
	v21 =	vpop (erf)  }
0x10c: {  	v22 =	vld [tilespmem:s20+$0xFFFFFFD0];
	v23 =	vpop (erf)  }
0x10d: {  	v33 =	vmul.f32 v17, v1;
	v24 =	vld [tilespmem:s8+$0xFFFFFFE0];
	v25 =	vmul.f32 v16, v2;
	v26 =	vpop (erf)  }
0x10e: {  	v16 =	vmul.f32 v16, v3;
	v15 =	vmul.f32 v15, v1;
	v27 =	vld [tilespmem:s20+$0xFFFFFFE0];
	v28 =	vpop (erf)  }
0x10f: {  	v29 =	vmul.f32 v14, v2;
	v14 =	vmul.f32 v14, v3;
	v30 =	vld [tilespmem:s8+$0xFFFFFFF0];
	v25 =	vadd.f32 v25, v33;
	v31 =	vpop (erf)  }
0x110: {  	v16 =	vadd.f32 v16, v33;
	v20 =	vmul.f32 v20, v1;
	v32 =	vld [tilespmem:s20+$0xFFFFFFF0];
	v17 =	vpop (erf)  }
0x111: {  	v29 =	vadd.f32 v29, v15;
	v33 =	vmul.f32 v22, v2;
	v34 =	vld [tilespmem:s8+$0x0];
	v25 =	vmul.f32 $1.442695020e+00, v25;
	v35 =	vpop (erf)  }
0x112: {  	v14 =	vadd.f32 v14, v15;
	v15 =	vmul.f32 v22, v3;
	v16 =	vmul.f32 $1.442695020e+00, v16;
	v22 =	vld [tilespmem:s20+$0x0];
	v36 =	vpop (erf)  }
0x113: {  	v24 =	vmul.f32 v24, v1;
	v33 =	vadd.f32 v33, v20;
	v37 =	vld [tilespmem:s8+$0x10];
	(erf) = vpow2.f32 v25  }
0x114: {  	s22 =	sadd.s32 $0x80, s22;
	v15 =	vadd.f32 v15, v20;
	v20 =	vmul.f32 v27, v2;
	v25 =	vld [tilespmem:s20+$0x10];
	(erf) = vpow2.f32 v16  }
0x115: {  	v16 =	vmul.f32 v27, v3;
	v27 =	vmul.f32 v30, v1;
	v30 =	vld [tilespmem:s22+$0x30]  }
0x116: {  	v20 =	vadd.f32 v20, v24;
	v38 =	vmul.f32 v32, v2;
	v32 =	vmul.f32 v32, v3;
	v39 =	vld [tilespmem:s8+$0x20]  }
0x117: {  	v16 =	vadd.f32 v16, v24;
	v24 =	vmul.f32 v34, v1;
	v34 =	vmul.f32 v22, v2;
	v40 =	vld [tilespmem:s20+$0x20]  }
0x118: {  	v38 =	vadd.f32 v38, v27;
	v22 =	vmul.f32 v22, v3;
	v41 =	vld [tilespmem:s22+$0xFFFFFFD0];
	v37 =	vmul.f32 v37, v1  }
0x119: {  	v27 =	vadd.f32 v32, v27;
	v42 =	vld [tilespmem:s22+$0xFFFFFFE0];
	v32 =	vmul.f32 v25, v2;
	v25 =	vmul.f32 v25, v3  }
0x11a: {  	v29 =	vmul.f32 $1.442695020e+00, v29;
	v34 =	vadd.f32 v34, v24;
	v22 =	vadd.f32 v22, v24;
	v43 =	vld [tilespmem:s22+$0xFFFFFFF0]  }
0x11b: {  	v24 =	vld [tilespmem:s22+$0x0];
	v32 =	vadd.f32 v32, v37;
	v25 =	vadd.f32 v25, v37;
	v37 =	vmul.f32 v39, v1  }
0x11c: {  	v39 =	vld [tilespmem:s22+$0x10];
	v44 =	vmul.f32 v40, v2;
	v40 =	vmul.f32 v40, v3;
	v45 =	vpop (erf)  }
0x11d: {  	v46 =	vmul.f32 $1.442695020e+00, v14;
	v33 =	vmul.f32 $1.442695020e+00, v33;
	[tilespmem:v30+s21+$0x0] =	vst.idx.add.f32.msk $0xffff, v45;
	v14 =	vpop (erf)  }
0x11e: {  	v45 =	vmul.f32 $1.442695020e+00, v15;
	v15 =	vadd.f32 v44, v37;
	v37 =	vadd.f32 v40, v37;
	[tilespmem:v30+s28+$0x0] =	vst.idx.add.f32.msk $0xffff, v14  }
0x11f: {  	v20 =	vmul.f32 $1.442695020e+00, v20;
	v30 =	vmul.f32 $1.442695020e+00, v16;
	v40 =	vld [tilespmem:s22+$0x20]  }
0x120: {  	v38 =	vmul.f32 $1.442695020e+00, v38;
	v27 =	vmul.f32 $1.442695020e+00, v27;
	v44 =	vld [tilespmem:s22+$0xFFFFFFC0]  }
0x121: {  	v34 =	vmul.f32 $1.442695020e+00, v34;
	v22 =	vmul.f32 $1.442695020e+00, v22;
	[tilespmem:v10+s28+$0x0] =	vst.idx.add.f32.msk $0xffff, v11  }
0x122: {  	v32 =	vmul.f32 $1.442695020e+00, v32;
	v16 =	vmul.f32 $1.442695020e+00, v25;
	[tilespmem:v4+s6+$0x0] =	vst.idx.add.f32.msk $0xffff, v12  }
0x123: {  	v15 =	vmul.f32 $1.442695020e+00, v15;
	v14 =	vmul.f32 $1.442695020e+00, v37;
	[tilespmem:v4+s28+$0x0] =	vst.idx.add.f32.msk $0xffff, v13;
	v4 =	vmov v41  }
0x124: {  	(erf) = vpow2.f32 v29;
	[tilespmem:v5+s6+$0x0] =	vst.idx.add.f32.msk $0xffff, v18  }
0x125: {  	(erf) = vpow2.f32 v46;
	[tilespmem:v5+s28+$0x0] =	vst.idx.add.f32.msk $0xffff, v19;
	v5 =	vmov v42;
	v10 =	vmov v44  }
0x126: {  	(erf) = vpow2.f32 v33;
	[tilespmem:v6+s6+$0x0] =	vst.idx.add.f32.msk $0xffff, v21  }
0x127: {  	(erf) = vpow2.f32 v45;
	[tilespmem:v6+s28+$0x0] =	vst.idx.add.f32.msk $0xffff, v23;
	v6 =	vmov v43  }
0x128: {  	(erf) = vpow2.f32 v20;
	[tilespmem:v7+s6+$0x0] =	vst.idx.add.f32.msk $0xffff, v26  }
0x129: {  	(erf) = vpow2.f32 v30;
	[tilespmem:v7+s28+$0x0] =	vst.idx.add.f32.msk $0xffff, v28;
	v7 =	vmov v24  }
.Ltmp5:
0x12a: {  	(erf) = vpow2.f32 v38;
	[tilespmem:v8+s6+$0x0] =	vst.idx.add.f32.msk $0xffff, v31;
	(pc) =	sbr.rel @p1 .LBB2_10-.Ltmp5, $4  }
0x12b: {  	(erf) = vpow2.f32 v27;
	[tilespmem:v8+s28+$0x0] =	vst.idx.add.f32.msk $0xffff, v17;
	v8 =	vmov v39  }
0x12c: {  	(erf) = vpow2.f32 v34;
	[tilespmem:v9+s6+$0x0] =	vst.idx.add.f32.msk $0xffff, v35;
	s6 =	smov.u32 s21  }
0x12d: {  	v11 =	vpop (erf);
	(erf) = vpow2.f32 v22;
	[tilespmem:v9+s28+$0x0] =	vst.idx.add.f32.msk $0xffff, v36;
	v9 =	vmov v40  }
0x12e: {  	s8 =	sadd.s32 $0x80, s8;
	[tilespmem:v44+s6+$0x0] =	vst.idx.add.f32.msk $0xffff, v11;
	v11 =	vpop (erf);
	(erf) = vpow2.f32 v32  }
0x12f: {  	_ =	sdelay $0x3  }
0x130: {  	v12 =	vpop (erf);
	(erf) = vpow2.f32 v16;
	[tilespmem:v10+s28+$0x0] =	vst.idx.add.f32.msk $0xffff, v11  }
0x131: {  	v61 =	vpop (erf);
	(erf) = vpow2.f32 v15;
	[tilespmem:v4+s6+$0x0] =	vst.idx.add.f32.msk $0xffff, v12  }
0x132: {  	v62 =	vpop (erf);
	(erf) = vpow2.f32 v14;
	[tilespmem:v4+s28+$0x0] =	vst.idx.add.f32.msk $0xffff, v61  }
0x133: {  	v4 =	vpop (erf);
	[tilespmem:v5+s6+$0x0] =	vst.idx.add.f32.msk $0xffff, v62  }
0x134: {  	v63 =	vpop (erf);
	[tilespmem:v5+s28+$0x0] =	vst.idx.add.f32.msk $0xffff, v4  }
0x135: {  	v4 =	vpop (erf);
	[tilespmem:v6+s6+$0x0] =	vst.idx.add.f32.msk $0xffff, v63  }
0x136: {  	v5 =	vpop (erf);
	[tilespmem:v6+s28+$0x0] =	vst.idx.add.f32.msk $0xffff, v4  }
0x137: {  	v4 =	vpop (erf);
	[tilespmem:v7+s6+$0x0] =	vst.idx.add.f32.msk $0xffff, v5  }
0x138: {  	v5 =	vpop (erf);
	[tilespmem:v7+s28+$0x0] =	vst.idx.add.f32.msk $0xffff, v4  }
0x139: {  	v4 =	vpop (erf);
	[tilespmem:v8+s6+$0x0] =	vst.idx.add.f32.msk $0xffff, v5  }
0x13a: {  	v5 =	vpop (erf);
	[tilespmem:v8+s28+$0x0] =	vst.idx.add.f32.msk $0xffff, v4  }
0x13b: {  	v4 =	vpop (erf);
	[tilespmem:v9+s6+$0x0] =	vst.idx.add.f32.msk $0xffff, v5  }
0x13c: {  	[tilespmem:v9+s28+$0x0] =	vst.idx.add.f32.msk $0xffff, v4  }
.LBB2_12:
0x13d: {  	s6 =	sshra.s32 s21, $0x2  }
0x13e: {  	v4 =	vld [tilespmem:s6+$0x1D880]  }
0x13f: {  	v5 =	vld [tilespmem:s6+$0x1E880];
	_ =	sdelay $0x4  }
0x140: {  	v4 =	vmul.f32 v4, v1;
	v6 =	vmul.f32 v5, v2  }
0x141: {  	v5 =	vmul.f32 v5, v3  }
0x142: {  	v6 =	vadd.f32 v6, v4  }
0x143: {  	v4 =	vadd.f32 v5, v4  }
0x144: {  	v5 =	vmul.f32 $1.442695020e+00, v6  }
0x145: {  	v4 =	vmul.f32 $1.442695020e+00, v4  }
0x146: {  	(erf) = vpow2.f32 v5  }
0x147: {  	(erf) = vpow2.f32 v4  }
0x148: {  	v4 =	vld [tilespmem:s6+$0x1C880];
	_ =	sdelay $0x3  }
0x149: {  	p1 =	sne.s32 s21, $0x40  }
.Ltmp6:
0x14a: {  	_ = 	snop;
	(pc) =	sbr.rel @p1 .LBB2_12-.Ltmp6, $4  }
0x14b: {  	_ = 	snop  }
0x14c: {  	v5 =	vpop (erf)  }
0x14d: {  	v63 =	vpop (erf);
	[tilespmem:v4+s2+$0x0] =	vst.idx.add.f32.msk $0xffff, v5  }
0x14e: {  	s21 =	sadd.s32 $0x40, s21;
	[tilespmem:v4+s28+$0x0] =	vst.idx.add.f32.msk $0xffff, v63  }
.Ltmp7:
0x14f: {  	(pc) =	sbr.rel @!p0 .LBB2_14-.Ltmp7, $1  }
0x150: {  	_ =	sdelay $0x3  }
0x151: {  	[hbm4b:s13+s30] =	stream.strided.scatter [tilespmem:s2], [sflag:$0x3], $0xC380, s31, s30, $0x38;
	[tilespmem:$0x1E900] =	vst v63  }
0x152: {  	s1 =	sadd.s32 $0x1, s1;
	_ =	swait.ge [sflag:s19], $0xC380  }
0x153: {  	p0 =	sne.s32 s1, s17;
	[sflag:s19] =	ssyncset.done $0x0  }
.Ltmp8:
0x154: {  	[sflag:s19] =	ssyncadd.s32 $0xFFFF3C80;
	(pc) =	sbr.rel @p0 .LBB2_1-.Ltmp8, $4  }
0x155: {  	[hbm4b:s16+s30] =	stream.strided.scatter [tilespmem:s28], [sflag:$0x3], $0xC380, s31, s30, $0x38;
	[tilespmem:$0x1E900] =	vst v63  }
0x156: {  	_ =	swait.ge [sflag:s19], $0xC380  }
0x157: {  	[sflag:s19] =	ssyncset.done $0x0  }
0x158: {  	[sflag:s19] =	ssyncadd.s32 $0xFFFF3C80  }
0x159: {  	_ =	sfence.sel $0x180000  }
0x15a: {  	[bflag:$0x0] =	sbarrier.arrive $0xFFFF  }
0x15b: {  	_ =	strace $0x9000004A  }
0x15c: {  	s0 =	stileid.u32;
	[bflag:$0x2] =	sbarrier.arrive $0xFFFF  }
0x15d: {  	p0 =	sne.s32 s0, $0x0;
	s0 =	rddreg [dreg:$0x2]  }
0x15e: {  	s0 =	sadd.s32 @!p0 $0x100000, s0  }
0x15f: {  	[sflag:s0] =	ssyncadd.tile.s32 @!p0 $0x1;
	_ =	shalt  }
.Lfunc_end2:
_tile_overlayer_lowered:
.L_overlay_start_2:
0x160: {  	(tag) =	ssettag $0x2  }
0x161: {  	s0 =	rddreg [dreg:$0x0];
	s2 =	stileid.u32  }
0x162: {  	s1 =	rddreg [dreg:$0x1];
	p0 =	sne.s32 s2, $0x0  }
0x163: {  	s3 =	rddreg [dreg:$0x2];
	[bflag:$0x3] =	sbarrier.arrive $0xFFFF;
	s2 =	simm.s32 @!p0 $0x1C03  }
0x164: {  	[timem:s3], [sflag:s2] =	dma.local @!p0 [hbm:s0], s1  }
0x165: {  	s0 =	simm.s32 @!p0 $0x3  }
0x166: {  	_ =	swait.ge @!p0 [sflag:s0], s1  }
0x167: {  	s1 =	ssub.s32 @!p0 $0x0, s1;
	[sflag:s0] =	ssyncset.done @!p0 $0x0  }
0x168: {  	[sflag:s0] =	ssyncadd.s32 @!p0 s1  }
0x169: {  	[bflag:$0x3] =	sbarrier.arrive $0xFFFF  }
0x16a: {  	_ =	shalt  }

</sc_bundles>
